<compile_context>
chip_gen: v7x
topology: tpu7x:2x2x1
jax: 0.10.2.dev20260603
libtpu: 0.0.44.dev20260713+nightly
codegen_flags: <defaults>
</compile_context>

<pallas_src>
import jax
import jax.numpy as jnp
from jax import lax
from jax.experimental import pallas as pl
from jax.experimental.pallas import tpu as pltpu
from jax.experimental.pallas import tpu_sc as plsc

N = 10000
E = 320000
DIM = 128
HID = 8
HEADS = 8
NCLS = 2

NP = 10240
ETOT = E + N
CH = 82
EP = 32 * CH * 128
BLK = NP // 16
W1ROW = 72
W2ROW = 16

_mesh = plsc.VectorSubcoreMesh(core_axis_name="c", subcore_axis_name="s")


def _gath16(v, idx):
    dn = lax.GatherDimensionNumbers(
        offset_dims=(), collapsed_slice_dims=(0,), start_index_map=(0,))
    return lax.gather(v, idx[:, None], dn, (1,),
                      mode=lax.GatherScatterMode.PROMISE_IN_BOUNDS)



def _prep_body(x_ref, ms_ref, md_ref, s_ref, d_ref):
    xb = x_ref[...]
    h = jnp.dot(xb, ms_ref[...], preferred_element_type=jnp.float32)
    s_ref[...] = h.astype(jnp.bfloat16)
    d_ref[...] = jnp.dot(xb, md_ref[...], preferred_element_type=jnp.float32)


def _prep(xp, ms, md):
    k = xp.shape[1]
    ws, wd = ms.shape[1], md.shape[1]
    return pl.pallas_call(
        _prep_body,
        grid=(16,),
        in_specs=[
            pl.BlockSpec((BLK, k), lambda i: (i, 0)),
            pl.BlockSpec((k, ws), lambda i: (0, 0)),
            pl.BlockSpec((k, wd), lambda i: (0, 0)),
        ],
        out_specs=[
            pl.BlockSpec((BLK, ws), lambda i: (i, 0)),
            pl.BlockSpec((BLK, wd), lambda i: (i, 0)),
        ],
        out_shape=[
            jax.ShapeDtypeStruct((NP, ws), jnp.bfloat16),
            jax.ShapeDtypeStruct((NP, wd), jnp.float32),
        ],
    )(xp, ms, md)


def _mid_body(acc_ref, p1_ref, p2_ref, r8_ref, m12_ref, b1_ref, o_ref):
    num = acc_ref[0] + acc_ref[1]
    hb = jnp.dot(num, p1_ref[...], preferred_element_type=jnp.float32)
    s8 = jnp.dot(num, p2_ref[...], preferred_element_type=jnp.float32)
    s64 = jnp.dot(s8, r8_ref[...], preferred_element_type=jnp.float32)
    g = hb / (s64 + 1e-16) + b1_ref[...]
    el = jnp.where(g > 0.0, g, jnp.exp(g) - 1.0)
    o_ref[...] = jnp.dot(el, m12_ref[...],
                         preferred_element_type=jnp.float32)


def _mid(acc1, p1, p2, r8, m12, b1r):
    return pl.pallas_call(
        _mid_body,
        grid=(16,),
        in_specs=[
            pl.BlockSpec((2, BLK, W1ROW), lambda i: (0, i, 0)),
            pl.BlockSpec((W1ROW, 64), lambda i: (0, 0)),
            pl.BlockSpec((W1ROW, 8), lambda i: (0, 0)),
            pl.BlockSpec((8, 64), lambda i: (0, 0)),
            pl.BlockSpec((64, W2ROW), lambda i: (0, 0)),
            pl.BlockSpec((1, 64), lambda i: (0, 0)),
        ],
        out_specs=pl.BlockSpec((BLK, W2ROW), lambda i: (i, 0)),
        out_shape=jax.ShapeDtypeStruct((NP, W2ROW), jnp.float32),
    )(acc1, p1, p2, r8, m12, b1r)


def _fin_body(acc_ref, e01_ref, e2_ref, b2_ref, o_ref):
    num = acc_ref[0] + acc_ref[1]
    nk = jnp.dot(num, e01_ref[...], preferred_element_type=jnp.float32)
    sv = jnp.dot(num, e2_ref[...], preferred_element_type=jnp.float32)
    o_ref[...] = nk / (sv + 1e-16) + b2_ref[...]


def _fin(acc2, e01, e2, b2p):
    return pl.pallas_call(
        _fin_body,
        grid=(16,),
        in_specs=[
            pl.BlockSpec((2, BLK, W2ROW), lambda i: (0, i, 0)),
            pl.BlockSpec((W2ROW, 128), lambda i: (0, 0)),
            pl.BlockSpec((W2ROW, 128), lambda i: (0, 0)),
            pl.BlockSpec((1, 128), lambda i: (0, 0)),
        ],
        out_specs=pl.BlockSpec((BLK, 128), lambda i: (i, 0)),
        out_shape=jax.ShapeDtypeStruct((NP, 128), jnp.float32),
    )(acc2, e01, e2, b2p)



def _edge_call(hbf, nd, sidx, didx, width, edge_fn, halves):
    has_h = hbf is not None
    rows = 128 * halves

    scratch = [
        pltpu.VMEM((CH, 128), jnp.int32),
        pltpu.VMEM((CH, 128), jnp.int32),
    ]
    if has_h:
        scratch.append(pltpu.VMEM((rows, 64), jnp.bfloat16))
    scratch += [
        pltpu.VMEM((rows, 16), jnp.float32),
        pltpu.VMEM((rows, 16), jnp.float32),
        pltpu.VMEM((rows, width), jnp.float32),
        pltpu.VMEM_SHARED((NP, width), jnp.float32),
    ]
    if has_h:
        scratch.append(pltpu.VMEM_SHARED((NP, 64), jnp.bfloat16))
    scratch += [
        pltpu.VMEM_SHARED((NP, 16), jnp.float32),
        pltpu.SemaphoreType.DMA,
        pltpu.SemaphoreType.DMA,
        pltpu.SemaphoreType.DMA,
    ]

    def body(*refs):
        i = 1 if has_h else 0
        hbf_hbm = refs[0] if has_h else None
        nd_hbm, sidx_hbm, didx_hbm, out_hbm = refs[i:i + 4]
        sc = refs[i + 4:]
        idx_s, idx_d = sc[0], sc[1]
        j = 2
        rows_h = None
        if has_h:
            rows_h = sc[j]
            j += 1
        srow, drow, outb, acc = sc[j:j + 4]
        j += 4
        hbf_sh = None
        if has_h:
            hbf_sh = sc[j]
            j += 1
        nd_sh = sc[j]
        sems = sc[j + 1:]

        cid = lax.axis_index("c")
        sid = lax.axis_index("s")
        wid = cid * 16 + sid
        offs = list(range(0, width - 15, 16))
        if width % 16:
            offs.append(width - 16)
        zeros16 = jnp.zeros((16,), jnp.float32)

        def zrow(i, _):
            for o in offs:
                outb[i, pl.ds(o, 16)] = zeros16
            return 0
        lax.fori_loop(0, rows, zrow, 0)
        base = sid * BLK
        nfull, rem = BLK // rows, BLK % rows
        for kc in range(nfull):
            pltpu.sync_copy(outb, acc.at[pl.ds(base + kc * rows, rows)])
        if rem:
            pltpu.sync_copy(outb.at[pl.ds(0, rem)],
                            acc.at[pl.ds(base + nfull * rows, rem)])
        if has_h:
            pltpu.sync_copy(hbf_hbm.at[pl.ds(base, BLK)],
                            hbf_sh.at[pl.ds(base, BLK)])
        pltpu.sync_copy(nd_hbm.at[pl.ds(base, BLK)],
                        nd_sh.at[pl.ds(base, BLK)])
        plsc.subcore_barrier()

        pltpu.sync_copy(sidx_hbm.at[wid], idx_s)
        pltpu.sync_copy(didx_hbm.at[wid], idx_d)

        def chunk(ci, _):
            c0 = ci * halves
            cps = []
            for b in range(halves):
                cb = c0 + b
                half = pl.ds(128 * b, 128)
                if has_h:
                    cps.append(pltpu.async_copy(hbf_sh.at[idx_s.at[cb]],
                                                rows_h.at[half], sems[0]))
                cps.append(pltpu.async_copy(nd_sh.at[idx_s.at[cb]],
                                            srow.at[half], sems[1]))
                cps.append(pltpu.async_copy(nd_sh.at[idx_d.at[cb]],
                                            drow.at[half], sems[2]))
            for cp in cps:
                cp.wait()
            plsc.parallel_loop(0, rows, unroll=4)(
                edge_fn(rows_h, srow, drow, outb))
            for b in range(halves):
                pltpu.sync_copy(outb.at[pl.ds(128 * b, 128)],
                                acc.at[idx_d.at[c0 + b]], add=True)
            return 0
        lax.fori_loop(0, CH // halves, chunk, 0)
        plsc.subcore_barrier()

        pltpu.sync_copy(acc.at[pl.ds(base, BLK)],
                        out_hbm.at[cid, pl.ds(base, BLK)])

    k = pl.kernel(
        body,
        out_type=jax.ShapeDtypeStruct((2, NP, width), jnp.float32),
        mesh=_mesh,
        compiler_params=pltpu.CompilerParams(use_tc_tiling_on_sc=False,
                                             needs_layout_passes=False),
        scratch_types=scratch,
    )
    args = ([hbf] if has_h else []) + [nd, sidx, didx]
    return k(*args)


def _edge1_fn(rows_h, srow, drow, outb):
    iota = lax.iota(jnp.int32, 16)
    i7 = iota & 7

    def edge(i):
        a = srow[i, pl.ds(0, 16)]
        b = drow[i, pl.ds(0, 16)]
        e = a + _gath16(b, i7 + 8)
        e = jnp.where(e >= 0.0, e, e * 0.2)
        w = jnp.exp(e)
        wb = _gath16(w, i7)
        outb[i, pl.ds(56, 16)] = wb
        for j in range(2):
            ab = rows_h[i, pl.ds(32 * j, 32)]
            u, v = plsc.unpack(ab, format=plsc.PackFormat.INTERLEAVED,
                               preferred_element_type=jnp.float32)
            outb[i, pl.ds(32 * j, 16)] = u * wb
            outb[i, pl.ds(32 * j + 16, 16)] = v * wb
    return edge


def _edge2_fn(rows_h, srow, drow, outb):
    iota = lax.iota(jnp.int32, 16)

    def edge(i):
        sv = srow[i, pl.ds(0, 16)]
        dv = drow[i, pl.ds(0, 16)]
        e = _gath16(sv, iota * 0 + 2) + _gath16(dv, iota * 0 + 8)
        e = jnp.where(e >= 0.0, e, e * 0.2)
        w = jnp.exp(e)
        sel = jnp.where(iota == 2, 1.0, jnp.where(iota < 2, sv, 0.0))
        outb[i, pl.ds(0, 16)] = w * sel
    return edge



def kernel(x, edge_index, W1, a_src1, a_dst1, b1, W2, a_src2, a_dst2, b2):
    f32 = jnp.float32
    loop = jnp.arange(N, dtype=jnp.int32)
    src = jnp.concatenate([edge_index[0].astype(jnp.int32), loop])
    dst = jnp.concatenate([edge_index[1].astype(jnp.int32), loop])
    pad = jnp.full((EP - ETOT,), N, jnp.int32)
    src3 = jnp.concatenate([src, pad]).reshape(32, CH, 128)
    dst3 = jnp.concatenate([dst, pad]).reshape(32, CH, 128)

    ar = jnp.arange(64)
    a1 = jnp.zeros((64, HEADS), f32).at[ar, ar // HID].set(a_src1.reshape(-1))
    a1d = jnp.zeros((64, HEADS), f32).at[ar, ar // HID].set(a_dst1.reshape(-1))
    rawk = (ar % 8) * 8 + ar // 8
    jj, r = ar // 32, ar % 32
    pos = 32 * jj + 16 * (r % 2) + r // 2
    ms_h = W1[:, rawk[pos]]
    nd_w = jnp.concatenate([W1 @ a1, W1 @ a1d], axis=1)
    p1 = jnp.zeros((W1ROW, 64), f32).at[ar, rawk].set(1.0)
    p2 = jnp.zeros((W1ROW, 8), f32).at[64 + jnp.arange(8), jnp.arange(8)].set(1.0)
    r8 = jnp.zeros((8, 64), f32).at[ar // HID, ar].set(1.0)
    m12 = jnp.concatenate([W2, W2 @ a_src2.T, jnp.zeros((64, 5), f32),
                           W2 @ a_dst2.T, jnp.zeros((64, 7), f32)], axis=1)
    e01 = jnp.zeros((W2ROW, 128), f32).at[jnp.arange(2), jnp.arange(2)].set(1.0)
    e2 = jnp.zeros((W2ROW, 128), f32).at[2, :].set(1.0)
    b2p = jnp.zeros((1, 128), f32).at[0, :2].set(b2)

    xp = jnp.zeros((NP, DIM), f32).at[:N].set(x)
    hbf, nd1 = _prep(xp, ms_h, nd_w)
    acc1 = _edge_call(hbf, nd1, src3, dst3, W1ROW, _edge1_fn, 1)
    nd2 = _mid(acc1, p1, p2, r8, m12, b1.reshape(1, 64))
    acc2 = _edge_call(None, nd2, src3, dst3, W2ROW, _edge2_fn, 2)
    outp = _fin(acc2, e01, e2, b2p)
    return outp[:N, :NCLS]

# --- scband reference (transcript-rebuilt; emitter-appended) ---
"""Pipeline reference for scband-gat-17892833755184 (READ-ONLY COPY).

The authoritative reference and input builder live on the scoring server;
editing this copy changes nothing except your own understanding.
"""

import jax, jax.numpy as jnp
import numpy as np

N = 10000
E = 320000
DIM = 128
HID = 8
HEADS = 8
NCLS = 2


def setup_inputs(seed: int = 0) -> dict:
    key = jax.random.key(seed)
    ks = jax.random.split(key, 12)
    x = jax.random.normal(ks[0], (N, DIM), dtype=jnp.float32)
    edge_index = jax.random.randint(ks[1], (2, E), 0, N, dtype=jnp.int32)
    # conv1: GATConv(DIM, HID, heads=HEADS), concat=True -> out dim HEADS*HID
    W1 = jax.random.normal(ks[2], (DIM, HEADS * HID), dtype=jnp.float32) * (1.0 / np.sqrt(DIM))
    a_src1 = jax.random.normal(ks[3], (HEADS, HID), dtype=jnp.float32) * 0.1
    a_dst1 = jax.random.normal(ks[4], (HEADS, HID), dtype=jnp.float32) * 0.1
    b1 = jnp.zeros((HEADS * HID,), dtype=jnp.float32)
    # conv2: GATConv(HEADS*HID, NCLS), heads=1 default
    W2 = jax.random.normal(ks[5], (HEADS * HID, 1 * NCLS), dtype=jnp.float32) * (1.0 / np.sqrt(HEADS * HID))
    a_src2 = jax.random.normal(ks[6], (1, NCLS), dtype=jnp.float32) * 0.1
    a_dst2 = jax.random.normal(ks[7], (1, NCLS), dtype=jnp.float32) * 0.1
    b2 = jnp.zeros((NCLS,), dtype=jnp.float32)
    return {"x": x, "edge_index": edge_index, "W1": W1, "a_src1": a_src1, "a_dst1": a_dst1, "b1": b1, "W2": W2, "a_src2": a_src2, "a_dst2": a_dst2, "b2": b2}


def gat_conv(x, edge_index, W, a_src, a_dst, b, heads, out_ch):
    n = x.shape[0]
    loop = jnp.arange(n, dtype=edge_index.dtype)
    src = jnp.concatenate([edge_index[0], loop])  # PyG adds self-loops by default
    dst = jnp.concatenate([edge_index[1], loop])
    h = (x @ W).reshape(n, heads, out_ch)
    alpha_src = jnp.sum(h * a_src[None, :, :], axis=-1)  # [N, H]
    alpha_dst = jnp.sum(h * a_dst[None, :, :], axis=-1)  # [N, H]
    e = alpha_src[src] + alpha_dst[dst]                  # [Etot, H]
    e = jax.nn.leaky_relu(e, negative_slope=0.2)
    m = jax.ops.segment_max(e, dst, num_segments=n)
    m = jnp.where(jnp.isfinite(m), m, 0.0)
    ex = jnp.exp(e - m[dst])
    s = jax.ops.segment_sum(ex, dst, num_segments=n)
    alpha = ex / (s[dst] + 1e-16)                        # per-dst softmax
    msg = h[src] * alpha[:, :, None]
    out = jax.ops.segment_sum(msg, dst, num_segments=n)  # [N, H, C]
    return out.reshape(n, heads * out_ch) + b


def reference(x, edge_index, W1, a_src1, a_dst1, b1, W2, a_src2, a_dst2, b2):
    # eval mode: dropout(p=0.6, training=False) is identity
    h = gat_conv(x, edge_index, W1, a_src1, a_dst1, b1, HEADS, HID)
    h = jax.nn.elu(h)
    out = gat_conv(h, edge_index, W2, a_src2, a_dst2, b2, 1, NCLS)
    return out

if __name__ == "__main__":
    import jax
    _d = setup_inputs()
    print(jax.jit(kernel)(*tuple(_d.values())))

</pallas_src>

<mosaic_0001>
#map = affine_map<(d0, d1) -> (0, 0)>
#map1 = affine_map<(d0, d1) -> (0, 0, 0)>
module attributes {stable_mosaic.version = 14 : i64} {
  func.func @body(%arg0: i32, %arg1: i32, %arg2: memref<10240x64xbf16, #tpu.memory_space<hbm>>, %arg3: memref<10240x16xf32, #tpu.memory_space<hbm>>, %arg4: memref<32x82x128xi32, #tpu.memory_space<hbm>>, %arg5: memref<32x82x128xi32, #tpu.memory_space<hbm>>, %arg6: memref<2x10240x72xf32, #tpu.memory_space<hbm>>, %arg7: memref<82x128xi32, #tpu.memory_space<vmem>>, %arg8: memref<82x128xi32, #tpu.memory_space<vmem>>, %arg9: memref<128x64xbf16, #tpu.memory_space<vmem>>, %arg10: memref<128x16xf32, #tpu.memory_space<vmem>>, %arg11: memref<128x16xf32, #tpu.memory_space<vmem>>, %arg12: memref<128x72xf32, #tpu.memory_space<vmem>>, %arg13: memref<10240x72xf32, #tpu.memory_space<vmem_shared>>, %arg14: memref<10240x64xbf16, #tpu.memory_space<vmem_shared>>, %arg15: memref<10240x16xf32, #tpu.memory_space<vmem_shared>>, %arg16: memref<!tpu.dma_semaphore, #tpu.memory_space<semaphore_mem>>, %arg17: memref<!tpu.dma_semaphore, #tpu.memory_space<semaphore_mem>>, %arg18: memref<!tpu.dma_semaphore, #tpu.memory_space<semaphore_mem>>) attributes {dimension_semantics = [#tpu.dimension_semantics<core_parallel>, #tpu.dimension_semantics<subcore_parallel>], iteration_bounds = array<i64: 2, 16>, scalar_prefetch = 0 : i64, scratch_operands = 12 : i64, tpu.core_type = #tpu.core_type<sc_vector_subcore>, window_params = [{transform_indices = #map}, {transform_indices = #map}, {transform_indices = #map1}, {transform_indices = #map1}, {transform_indices = #map1}]} {
    %mul3A = arith.constant 16 : i32
    %mul3A_0 = arith.muli %arg0, %mul3A : i32
    %add3A = arith.addi %mul3A_0, %arg1 : i32
    %broadcast_in_dim3A = arith.constant 0.000000e+00 : f32
    %broadcast_in_dim3A_1 = vector.broadcast %broadcast_in_dim3A : f32 to vector<16xf32>
    %scan3A = arith.constant 0 : i32
    %scan3A_2 = arith.constant 0 : i32
    %scan3A_3 = arith.constant 128 : i32
    %scan3A_4 = arith.addi %scan3A_2, %scan3A_3 : i32
    %scan3A_5 = arith.constant 1 : i32
    %scan3A_6 = scf.for %scan3A_28 = %scan3A_2 to %scan3A_4 step %scan3A_5 iter_args(%scan3A_29 = %scan3A) -> (i32)  : i32 {
      %swap3A = arith.index_cast %scan3A_28 : i32 to index
      %swap3A_30 = arith.constant 0 : index
      %swap3A_31 = tpu.vector_load %arg12[%swap3A, %swap3A_30] {strides = array<i32>} : memref<128x72xf32, #tpu.memory_space<vmem>>, vector<16xf32>,
      tpu.vector_store %arg12[%swap3A, %swap3A_30], %broadcast_in_dim3A_1 {strides = array<i32>} : memref<128x72xf32, #tpu.memory_space<vmem>>, vector<16xf32>,
      %swap3A_32 = arith.index_cast %scan3A_28 : i32 to index
      %swap3A_33 = arith.constant 16 : index
      %swap3A_34 = tpu.vector_load %arg12[%swap3A_32, %swap3A_33] {strides = array<i32>} : memref<128x72xf32, #tpu.memory_space<vmem>>, vector<16xf32>,
      tpu.vector_store %arg12[%swap3A_32, %swap3A_33], %broadcast_in_dim3A_1 {strides = array<i32>} : memref<128x72xf32, #tpu.memory_space<vmem>>, vector<16xf32>,
      %swap3A_35 = arith.index_cast %scan3A_28 : i32 to index
      %swap3A_36 = arith.constant 32 : index
      %swap3A_37 = tpu.vector_load %arg12[%swap3A_35, %swap3A_36] {strides = array<i32>} : memref<128x72xf32, #tpu.memory_space<vmem>>, vector<16xf32>,
      tpu.vector_store %arg12[%swap3A_35, %swap3A_36], %broadcast_in_dim3A_1 {strides = array<i32>} : memref<128x72xf32, #tpu.memory_space<vmem>>, vector<16xf32>,
      %swap3A_38 = arith.index_cast %scan3A_28 : i32 to index
      %swap3A_39 = arith.constant 48 : index
      %swap3A_40 = tpu.vector_load %arg12[%swap3A_38, %swap3A_39] {strides = array<i32>} : memref<128x72xf32, #tpu.memory_space<vmem>>, vector<16xf32>,
      tpu.vector_store %arg12[%swap3A_38, %swap3A_39], %broadcast_in_dim3A_1 {strides = array<i32>} : memref<128x72xf32, #tpu.memory_space<vmem>>, vector<16xf32>,
      %swap3A_41 = arith.index_cast %scan3A_28 : i32 to index
      %swap3A_42 = arith.constant 56 : index
      %swap3A_43 = tpu.vector_load %arg12[%swap3A_41, %swap3A_42] {strides = array<i32>} : memref<128x72xf32, #tpu.memory_space<vmem>>, vector<16xf32>,
      tpu.vector_store %arg12[%swap3A_41, %swap3A_42], %broadcast_in_dim3A_1 {strides = array<i32>} : memref<128x72xf32, #tpu.memory_space<vmem>>, vector<16xf32>,
      %scan3A_44 = arith.constant 0 : i32
      scf.yield %scan3A_44 : i32
    }
    %scan3A_7 = arith.constant 128 : i32
    %mul3A_8 = arith.constant 640 : i32
    %mul3A_9 = arith.muli %arg1, %mul3A_8 : i32
    %add3A_10 = arith.constant 0 : i32
    %add3A_11 = arith.addi %mul3A_9, %add3A_10 : i32
    "tpu.region"() ({
      %run_scoped3A = tpu.sem_alloc : memref<!tpu.dma_semaphore, #tpu.memory_space<semaphore_mem>>
      %dma_start3A = arith.constant 0 : i32
      %dma_start3A_28 = tpu.memref_slice %arg13[%add3A_11, %dma_start3A] : memref<10240x72xf32, #tpu.memory_space<vmem_shared>> -> memref<128x72xf32, #tpu.memory_space<vmem_shared>>
      %dma_start3A_29 = arith.constant 0 : i32
      %dma_start3A_30 = tpu.memref_slice %arg13[%add3A_11, %dma_start3A_29] : memref<10240x72xf32, #tpu.memory_space<vmem_shared>> -> memref<128x72xf32, #tpu.memory_space<vmem_shared>>
      tpu.enqueue_dma source(%arg12 : memref<128x72xf32, #tpu.memory_space<vmem>>) target(%dma_start3A_30 : memref<128x72xf32, #tpu.memory_space<vmem_shared>>) target_semaphore(%run_scoped3A : memref<!tpu.dma_semaphore, #tpu.memory_space<semaphore_mem>>)
      %dma_wait3A = arith.constant 0 : i32
      %dma_wait3A_31 = tpu.memref_slice %arg13[%add3A_11, %dma_wait3A] : memref<10240x72xf32, #tpu.memory_space<vmem_shared>> -> memref<128x72xf32, #tpu.memory_space<vmem_shared>>
      %dma_wait3A_32 = arith.constant 0 : i32
      %dma_wait3A_33 = tpu.memref_slice %arg13[%add3A_11, %dma_wait3A_32] : memref<10240x72xf32, #tpu.memory_space<vmem_shared>> -> memref<128x72xf32, #tpu.memory_space<vmem_shared>>
      tpu.wait_dma2 semaphore(%run_scoped3A : memref<!tpu.dma_semaphore, #tpu.memory_space<semaphore_mem>>) src(%arg12 : memref<128x72xf32, #tpu.memory_space<vmem>>) dst(%dma_wait3A_33 : memref<128x72xf32, #tpu.memory_space<vmem_shared>>)
      tpu.yield
    }) : () -> ()
    %add3A_12 = arith.constant 128 : i32
    %add3A_13 = arith.addi %mul3A_9, %add3A_12 : i32
    "tpu.region"() ({
      %run_scoped3A = tpu.sem_alloc : memref<!tpu.dma_semaphore, #tpu.memory_space<semaphore_mem>>
      %dma_start3A = arith.constant 0 : i32
      %dma_start3A_28 = tpu.memref_slice %arg13[%add3A_13, %dma_start3A] : memref<10240x72xf32, #tpu.memory_space<vmem_shared>> -> memref<128x72xf32, #tpu.memory_space<vmem_shared>>
      %dma_start3A_29 = arith.constant 0 : i32
      %dma_start3A_30 = tpu.memref_slice %arg13[%add3A_13, %dma_start3A_29] : memref<10240x72xf32, #tpu.memory_space<vmem_shared>> -> memref<128x72xf32, #tpu.memory_space<vmem_shared>>
      tpu.enqueue_dma source(%arg12 : memref<128x72xf32, #tpu.memory_space<vmem>>) target(%dma_start3A_30 : memref<128x72xf32, #tpu.memory_space<vmem_shared>>) target_semaphore(%run_scoped3A : memref<!tpu.dma_semaphore, #tpu.memory_space<semaphore_mem>>)
      %dma_wait3A = arith.constant 0 : i32
      %dma_wait3A_31 = tpu.memref_slice %arg13[%add3A_13, %dma_wait3A] : memref<10240x72xf32, #tpu.memory_space<vmem_shared>> -> memref<128x72xf32, #tpu.memory_space<vmem_shared>>
      %dma_wait3A_32 = arith.constant 0 : i32
      %dma_wait3A_33 = tpu.memref_slice %arg13[%add3A_13, %dma_wait3A_32] : memref<10240x72xf32, #tpu.memory_space<vmem_shared>> -> memref<128x72xf32, #tpu.memory_space<vmem_shared>>
      tpu.wait_dma2 semaphore(%run_scoped3A : memref<!tpu.dma_semaphore, #tpu.memory_space<semaphore_mem>>) src(%arg12 : memref<128x72xf32, #tpu.memory_space<vmem>>) dst(%dma_wait3A_33 : memref<128x72xf32, #tpu.memory_space<vmem_shared>>)
      tpu.yield
    }) : () -> ()
    %add3A_14 = arith.constant 256 : i32
    %add3A_15 = arith.addi %mul3A_9, %add3A_14 : i32
    "tpu.region"() ({
      %run_scoped3A = tpu.sem_alloc : memref<!tpu.dma_semaphore, #tpu.memory_space<semaphore_mem>>
      %dma_start3A = arith.constant 0 : i32
      %dma_start3A_28 = tpu.memref_slice %arg13[%add3A_15, %dma_start3A] : memref<10240x72xf32, #tpu.memory_space<vmem_shared>> -> memref<128x72xf32, #tpu.memory_space<vmem_shared>>
      %dma_start3A_29 = arith.constant 0 : i32
      %dma_start3A_30 = tpu.memref_slice %arg13[%add3A_15, %dma_start3A_29] : memref<10240x72xf32, #tpu.memory_space<vmem_shared>> -> memref<128x72xf32, #tpu.memory_space<vmem_shared>>
      tpu.enqueue_dma source(%arg12 : memref<128x72xf32, #tpu.memory_space<vmem>>) target(%dma_start3A_30 : memref<128x72xf32, #tpu.memory_space<vmem_shared>>) target_semaphore(%run_scoped3A : memref<!tpu.dma_semaphore, #tpu.memory_space<semaphore_mem>>)
      %dma_wait3A = arith.constant 0 : i32
      %dma_wait3A_31 = tpu.memref_slice %arg13[%add3A_15, %dma_wait3A] : memref<10240x72xf32, #tpu.memory_space<vmem_shared>> -> memref<128x72xf32, #tpu.memory_space<vmem_shared>>
      %dma_wait3A_32 = arith.constant 0 : i32
      %dma_wait3A_33 = tpu.memref_slice %arg13[%add3A_15, %dma_wait3A_32] : memref<10240x72xf32, #tpu.memory_space<vmem_shared>> -> memref<128x72xf32, #tpu.memory_space<vmem_shared>>
      tpu.wait_dma2 semaphore(%run_scoped3A : memref<!tpu.dma_semaphore, #tpu.memory_space<semaphore_mem>>) src(%arg12 : memref<128x72xf32, #tpu.memory_space<vmem>>) dst(%dma_wait3A_33 : memref<128x72xf32, #tpu.memory_space<vmem_shared>>)
      tpu.yield
    }) : () -> ()
    %add3A_16 = arith.constant 384 : i32
    %add3A_17 = arith.addi %mul3A_9, %add3A_16 : i32
    "tpu.region"() ({
      %run_scoped3A = tpu.sem_alloc : memref<!tpu.dma_semaphore, #tpu.memory_space<semaphore_mem>>
      %dma_start3A = arith.constant 0 : i32
      %dma_start3A_28 = tpu.memref_slice %arg13[%add3A_17, %dma_start3A] : memref<10240x72xf32, #tpu.memory_space<vmem_shared>> -> memref<128x72xf32, #tpu.memory_space<vmem_shared>>
      %dma_start3A_29 = arith.constant 0 : i32
      %dma_start3A_30 = tpu.memref_slice %arg13[%add3A_17, %dma_start3A_29] : memref<10240x72xf32, #tpu.memory_space<vmem_shared>> -> memref<128x72xf32, #tpu.memory_space<vmem_shared>>
      tpu.enqueue_dma source(%arg12 : memref<128x72xf32, #tpu.memory_space<vmem>>) target(%dma_start3A_30 : memref<128x72xf32, #tpu.memory_space<vmem_shared>>) target_semaphore(%run_scoped3A : memref<!tpu.dma_semaphore, #tpu.memory_space<semaphore_mem>>)
      %dma_wait3A = arith.constant 0 : i32
      %dma_wait3A_31 = tpu.memref_slice %arg13[%add3A_17, %dma_wait3A] : memref<10240x72xf32, #tpu.memory_space<vmem_shared>> -> memref<128x72xf32, #tpu.memory_space<vmem_shared>>
      %dma_wait3A_32 = arith.constant 0 : i32
      %dma_wait3A_33 = tpu.memref_slice %arg13[%add3A_17, %dma_wait3A_32] : memref<10240x72xf32, #tpu.memory_space<vmem_shared>> -> memref<128x72xf32, #tpu.memory_space<vmem_shared>>
      tpu.wait_dma2 semaphore(%run_scoped3A : memref<!tpu.dma_semaphore, #tpu.memory_space<semaphore_mem>>) src(%arg12 : memref<128x72xf32, #tpu.memory_space<vmem>>) dst(%dma_wait3A_33 : memref<128x72xf32, #tpu.memory_space<vmem_shared>>)
      tpu.yield
    }) : () -> ()
    %add3A_18 = arith.constant 512 : i32
    %add3A_19 = arith.addi %mul3A_9, %add3A_18 : i32
    "tpu.region"() ({
      %run_scoped3A = tpu.sem_alloc : memref<!tpu.dma_semaphore, #tpu.memory_space<semaphore_mem>>
      %dma_start3A = arith.constant 0 : i32
      %dma_start3A_28 = tpu.memref_slice %arg13[%add3A_19, %dma_start3A] : memref<10240x72xf32, #tpu.memory_space<vmem_shared>> -> memref<128x72xf32, #tpu.memory_space<vmem_shared>>
      %dma_start3A_29 = arith.constant 0 : i32
      %dma_start3A_30 = tpu.memref_slice %arg13[%add3A_19, %dma_start3A_29] : memref<10240x72xf32, #tpu.memory_space<vmem_shared>> -> memref<128x72xf32, #tpu.memory_space<vmem_shared>>
      tpu.enqueue_dma source(%arg12 : memref<128x72xf32, #tpu.memory_space<vmem>>) target(%dma_start3A_30 : memref<128x72xf32, #tpu.memory_space<vmem_shared>>) target_semaphore(%run_scoped3A : memref<!tpu.dma_semaphore, #tpu.memory_space<semaphore_mem>>)
      %dma_wait3A = arith.constant 0 : i32
      %dma_wait3A_31 = tpu.memref_slice %arg13[%add3A_19, %dma_wait3A] : memref<10240x72xf32, #tpu.memory_space<vmem_shared>> -> memref<128x72xf32, #tpu.memory_space<vmem_shared>>
      %dma_wait3A_32 = arith.constant 0 : i32
      %dma_wait3A_33 = tpu.memref_slice %arg13[%add3A_19, %dma_wait3A_32] : memref<10240x72xf32, #tpu.memory_space<vmem_shared>> -> memref<128x72xf32, #tpu.memory_space<vmem_shared>>
      tpu.wait_dma2 semaphore(%run_scoped3A : memref<!tpu.dma_semaphore, #tpu.memory_space<semaphore_mem>>) src(%arg12 : memref<128x72xf32, #tpu.memory_space<vmem>>) dst(%dma_wait3A_33 : memref<128x72xf32, #tpu.memory_space<vmem_shared>>)
      tpu.yield
    }) : () -> ()
    "tpu.region"() ({
      %run_scoped3A = tpu.sem_alloc : memref<!tpu.dma_semaphore, #tpu.memory_space<semaphore_mem>>
      %dma_start3A = arith.constant 0 : i32
      %dma_start3A_28 = tpu.memref_slice %arg14[%mul3A_9, %dma_start3A] : memref<10240x64xbf16, #tpu.memory_space<vmem_shared>> -> memref<640x64xbf16, #tpu.memory_space<vmem_shared>>
      %dma_start3A_29 = arith.constant 0 : i32
      %dma_start3A_30 = tpu.memref_slice %arg2[%mul3A_9, %dma_start3A_29] : memref<10240x64xbf16, #tpu.memory_space<hbm>> -> memref<640x64xbf16, #tpu.memory_space<hbm>>
      tpu.enqueue_dma source(%dma_start3A_30 : memref<640x64xbf16, #tpu.memory_space<hbm>>) target(%dma_start3A_28 : memref<640x64xbf16, #tpu.memory_space<vmem_shared>>) target_semaphore(%run_scoped3A : memref<!tpu.dma_semaphore, #tpu.memory_space<semaphore_mem>>)
      %dma_wait3A = arith.constant 0 : i32
      %dma_wait3A_31 = tpu.memref_slice %arg14[%mul3A_9, %dma_wait3A] : memref<10240x64xbf16, #tpu.memory_space<vmem_shared>> -> memref<640x64xbf16, #tpu.memory_space<vmem_shared>>
      %dma_wait3A_32 = arith.constant 0 : i32
      %dma_wait3A_33 = tpu.memref_slice %arg2[%mul3A_9, %dma_wait3A_32] : memref<10240x64xbf16, #tpu.memory_space<hbm>> -> memref<640x64xbf16, #tpu.memory_space<hbm>>
      tpu.wait_dma2 semaphore(%run_scoped3A : memref<!tpu.dma_semaphore, #tpu.memory_space<semaphore_mem>>) src(%dma_wait3A_33 : memref<640x64xbf16, #tpu.memory_space<hbm>>) dst(%dma_wait3A_31 : memref<640x64xbf16, #tpu.memory_space<vmem_shared>>)
      tpu.yield
    }) : () -> ()
    "tpu.region"() ({
      %run_scoped3A = tpu.sem_alloc : memref<!tpu.dma_semaphore, #tpu.memory_space<semaphore_mem>>
      %dma_start3A = arith.constant 0 : i32
      %dma_start3A_28 = tpu.memref_slice %arg15[%mul3A_9, %dma_start3A] : memref<10240x16xf32, #tpu.memory_space<vmem_shared>> -> memref<640x16xf32, #tpu.memory_space<vmem_shared>>
      %dma_start3A_29 = arith.constant 0 : i32
      %dma_start3A_30 = tpu.memref_slice %arg3[%mul3A_9, %dma_start3A_29] : memref<10240x16xf32, #tpu.memory_space<hbm>> -> memref<640x16xf32, #tpu.memory_space<hbm>>
      tpu.enqueue_dma source(%dma_start3A_30 : memref<640x16xf32, #tpu.memory_space<hbm>>) target(%dma_start3A_28 : memref<640x16xf32, #tpu.memory_space<vmem_shared>>) target_semaphore(%run_scoped3A : memref<!tpu.dma_semaphore, #tpu.memory_space<semaphore_mem>>)
      %dma_wait3A = arith.constant 0 : i32
      %dma_wait3A_31 = tpu.memref_slice %arg15[%mul3A_9, %dma_wait3A] : memref<10240x16xf32, #tpu.memory_space<vmem_shared>> -> memref<640x16xf32, #tpu.memory_space<vmem_shared>>
      %dma_wait3A_32 = arith.constant 0 : i32
      %dma_wait3A_33 = tpu.memref_slice %arg3[%mul3A_9, %dma_wait3A_32] : memref<10240x16xf32, #tpu.memory_space<hbm>> -> memref<640x16xf32, #tpu.memory_space<hbm>>
      tpu.wait_dma2 semaphore(%run_scoped3A : memref<!tpu.dma_semaphore, #tpu.memory_space<semaphore_mem>>) src(%dma_wait3A_33 : memref<640x16xf32, #tpu.memory_space<hbm>>) dst(%dma_wait3A_31 : memref<640x16xf32, #tpu.memory_space<vmem_shared>>)
      tpu.yield
    }) : () -> ()
    %barrier3A = arith.constant 0 : index
    tpu.barrier barrier_id(%barrier3A)
    "tpu.region"() ({
      %run_scoped3A = tpu.sem_alloc : memref<!tpu.dma_semaphore, #tpu.memory_space<semaphore_mem>>
      %dma_start3A = arith.constant 0 : i32
      %dma_start3A_28 = arith.constant 0 : i32
      %dma_start3A_29 = tpu.memref_slice %arg4[%add3A, %dma_start3A, %dma_start3A_28] : memref<32x82x128xi32, #tpu.memory_space<hbm>> -> memref<1x82x128xi32, #tpu.memory_space<hbm>>
      %dma_start3A_30 = tpu.memref_squeeze %dma_start3A_29 : memref<1x82x128xi32, #tpu.memory_space<hbm>> -> memref<82x128xi32, #tpu.memory_space<hbm>>
      %dma_start3A_31 = arith.constant 0 : i32
      %dma_start3A_32 = arith.constant 0 : i32
      %dma_start3A_33 = tpu.memref_slice %arg4[%add3A, %dma_start3A_31, %dma_start3A_32] : memref<32x82x128xi32, #tpu.memory_space<hbm>> -> memref<1x82x128xi32, #tpu.memory_space<hbm>>
      %dma_start3A_34 = tpu.memref_squeeze %dma_start3A_33 : memref<1x82x128xi32, #tpu.memory_space<hbm>> -> memref<82x128xi32, #tpu.memory_space<hbm>>
      tpu.enqueue_dma source(%dma_start3A_34 : memref<82x128xi32, #tpu.memory_space<hbm>>) target(%arg7 : memref<82x128xi32, #tpu.memory_space<vmem>>) target_semaphore(%run_scoped3A : memref<!tpu.dma_semaphore, #tpu.memory_space<semaphore_mem>>)
      %dma_wait3A = arith.constant 0 : i32
      %dma_wait3A_35 = arith.constant 0 : i32
      %dma_wait3A_36 = tpu.memref_slice %arg4[%add3A, %dma_wait3A, %dma_wait3A_35] : memref<32x82x128xi32, #tpu.memory_space<hbm>> -> memref<1x82x128xi32, #tpu.memory_space<hbm>>
      %dma_wait3A_37 = tpu.memref_squeeze %dma_wait3A_36 : memref<1x82x128xi32, #tpu.memory_space<hbm>> -> memref<82x128xi32, #tpu.memory_space<hbm>>
      %dma_wait3A_38 = arith.constant 0 : i32
      %dma_wait3A_39 = arith.constant 0 : i32
      %dma_wait3A_40 = tpu.memref_slice %arg4[%add3A, %dma_wait3A_38, %dma_wait3A_39] : memref<32x82x128xi32, #tpu.memory_space<hbm>> -> memref<1x82x128xi32, #tpu.memory_space<hbm>>
      %dma_wait3A_41 = tpu.memref_squeeze %dma_wait3A_40 : memref<1x82x128xi32, #tpu.memory_space<hbm>> -> memref<82x128xi32, #tpu.memory_space<hbm>>
      tpu.wait_dma2 semaphore(%run_scoped3A : memref<!tpu.dma_semaphore, #tpu.memory_space<semaphore_mem>>) src(%dma_wait3A_41 : memref<82x128xi32, #tpu.memory_space<hbm>>) dst(%arg7 : memref<82x128xi32, #tpu.memory_space<vmem>>)
      tpu.yield
    }) : () -> ()
    "tpu.region"() ({
      %run_scoped3A = tpu.sem_alloc : memref<!tpu.dma_semaphore, #tpu.memory_space<semaphore_mem>>
      %dma_start3A = arith.constant 0 : i32
      %dma_start3A_28 = arith.constant 0 : i32
      %dma_start3A_29 = tpu.memref_slice %arg5[%add3A, %dma_start3A, %dma_start3A_28] : memref<32x82x128xi32, #tpu.memory_space<hbm>> -> memref<1x82x128xi32, #tpu.memory_space<hbm>>
      %dma_start3A_30 = tpu.memref_squeeze %dma_start3A_29 : memref<1x82x128xi32, #tpu.memory_space<hbm>> -> memref<82x128xi32, #tpu.memory_space<hbm>>
      %dma_start3A_31 = arith.constant 0 : i32
      %dma_start3A_32 = arith.constant 0 : i32
      %dma_start3A_33 = tpu.memref_slice %arg5[%add3A, %dma_start3A_31, %dma_start3A_32] : memref<32x82x128xi32, #tpu.memory_space<hbm>> -> memref<1x82x128xi32, #tpu.memory_space<hbm>>
      %dma_start3A_34 = tpu.memref_squeeze %dma_start3A_33 : memref<1x82x128xi32, #tpu.memory_space<hbm>> -> memref<82x128xi32, #tpu.memory_space<hbm>>
      tpu.enqueue_dma source(%dma_start3A_34 : memref<82x128xi32, #tpu.memory_space<hbm>>) target(%arg8 : memref<82x128xi32, #tpu.memory_space<vmem>>) target_semaphore(%run_scoped3A : memref<!tpu.dma_semaphore, #tpu.memory_space<semaphore_mem>>)
      %dma_wait3A = arith.constant 0 : i32
      %dma_wait3A_35 = arith.constant 0 : i32
      %dma_wait3A_36 = tpu.memref_slice %arg5[%add3A, %dma_wait3A, %dma_wait3A_35] : memref<32x82x128xi32, #tpu.memory_space<hbm>> -> memref<1x82x128xi32, #tpu.memory_space<hbm>>
      %dma_wait3A_37 = tpu.memref_squeeze %dma_wait3A_36 : memref<1x82x128xi32, #tpu.memory_space<hbm>> -> memref<82x128xi32, #tpu.memory_space<hbm>>
      %dma_wait3A_38 = arith.constant 0 : i32
      %dma_wait3A_39 = arith.constant 0 : i32
      %dma_wait3A_40 = tpu.memref_slice %arg5[%add3A, %dma_wait3A_38, %dma_wait3A_39] : memref<32x82x128xi32, #tpu.memory_space<hbm>> -> memref<1x82x128xi32, #tpu.memory_space<hbm>>
      %dma_wait3A_41 = tpu.memref_squeeze %dma_wait3A_40 : memref<1x82x128xi32, #tpu.memory_space<hbm>> -> memref<82x128xi32, #tpu.memory_space<hbm>>
      tpu.wait_dma2 semaphore(%run_scoped3A : memref<!tpu.dma_semaphore, #tpu.memory_space<semaphore_mem>>) src(%dma_wait3A_41 : memref<82x128xi32, #tpu.memory_space<hbm>>) dst(%arg8 : memref<82x128xi32, #tpu.memory_space<vmem>>)
      tpu.yield
    }) : () -> ()
    %scan3A_20 = arith.constant 0 : i32
    %scan3A_21 = arith.constant 0 : i32
    %scan3A_22 = arith.constant 82 : i32
    %scan3A_23 = arith.addi %scan3A_21, %scan3A_22 : i32
    %scan3A_24 = arith.constant 1 : i32
    %scan3A_25 = scf.for %scan3A_28 = %scan3A_21 to %scan3A_23 step %scan3A_24 iter_args(%scan3A_29 = %scan3A_20) -> (i32)  : i32 {
      %mul3A_30 = arith.constant 1 : i32
      %mul3A_31 = arith.muli %scan3A_28, %mul3A_30 : i32
      %add3A_32 = arith.constant 0 : i32
      %add3A_33 = arith.addi %mul3A_31, %add3A_32 : i32
      %dma_start3A = arith.constant 0 : i32
      %dma_start3A_34 = arith.constant 0 : i32
      %dma_start3A_35 = tpu.memref_slice %arg9[%dma_start3A, %dma_start3A_34] : memref<128x64xbf16, #tpu.memory_space<vmem>> -> memref<128x64xbf16, #tpu.memory_space<vmem>>
      %dma_start3A_36 = arith.constant 0 : i32
      %dma_start3A_37 = tpu.memref_slice %arg7[%add3A_33, %dma_start3A_36] : memref<82x128xi32, #tpu.memory_space<vmem>> -> memref<1x128xi32, #tpu.memory_space<vmem>>
      %dma_start3A_38 = tpu.memref_squeeze %dma_start3A_37 : memref<1x128xi32, #tpu.memory_space<vmem>> -> memref<128xi32, #tpu.memory_space<vmem>>
      %dma_start3A_39 = arith.constant 0 : i32
      %dma_start3A_40 = arith.constant 0 : i32
      %dma_start3A_41 = tpu.memref_slice %arg14[%dma_start3A_39, %dma_start3A_40] : memref<10240x64xbf16, #tpu.memory_space<vmem_shared>> -> memref<10240x64xbf16, #tpu.memory_space<vmem_shared>>
      tpu.enqueue_indirect_dma source(%dma_start3A_41 : memref<10240x64xbf16, #tpu.memory_space<vmem_shared>>) target(%dma_start3A_35 : memref<128x64xbf16, #tpu.memory_space<vmem>>) offsets(%dma_start3A_38 : memref<128xi32, #tpu.memory_space<vmem>>) semaphore(%arg16 : memref<!tpu.dma_semaphore, #tpu.memory_space<semaphore_mem>>)
      %dma_start3A_42 = arith.constant 0 : i32
      %dma_start3A_43 = arith.constant 0 : i32
      %dma_start3A_44 = tpu.memref_slice %arg10[%dma_start3A_42, %dma_start3A_43] : memref<128x16xf32, #tpu.memory_space<vmem>> -> memref<128x16xf32, #tpu.memory_space<vmem>>
      %dma_start3A_45 = arith.constant 0 : i32
      %dma_start3A_46 = tpu.memref_slice %arg7[%add3A_33, %dma_start3A_45] : memref<82x128xi32, #tpu.memory_space<vmem>> -> memref<1x128xi32, #tpu.memory_space<vmem>>
      %dma_start3A_47 = tpu.memref_squeeze %dma_start3A_46 : memref<1x128xi32, #tpu.memory_space<vmem>> -> memref<128xi32, #tpu.memory_space<vmem>>
      %dma_start3A_48 = arith.constant 0 : i32
      %dma_start3A_49 = arith.constant 0 : i32
      %dma_start3A_50 = tpu.memref_slice %arg15[%dma_start3A_48, %dma_start3A_49] : memref<10240x16xf32, #tpu.memory_space<vmem_shared>> -> memref<10240x16xf32, #tpu.memory_space<vmem_shared>>
      tpu.enqueue_indirect_dma source(%dma_start3A_50 : memref<10240x16xf32, #tpu.memory_space<vmem_shared>>) target(%dma_start3A_44 : memref<128x16xf32, #tpu.memory_space<vmem>>) offsets(%dma_start3A_47 : memref<128xi32, #tpu.memory_space<vmem>>) semaphore(%arg17 : memref<!tpu.dma_semaphore, #tpu.memory_space<semaphore_mem>>)
      %dma_start3A_51 = arith.constant 0 : i32
      %dma_start3A_52 = arith.constant 0 : i32
      %dma_start3A_53 = tpu.memref_slice %arg11[%dma_start3A_51, %dma_start3A_52] : memref<128x16xf32, #tpu.memory_space<vmem>> -> memref<128x16xf32, #tpu.memory_space<vmem>>
      %dma_start3A_54 = arith.constant 0 : i32
      %dma_start3A_55 = tpu.memref_slice %arg8[%add3A_33, %dma_start3A_54] : memref<82x128xi32, #tpu.memory_space<vmem>> -> memref<1x128xi32, #tpu.memory_space<vmem>>
      %dma_start3A_56 = tpu.memref_squeeze %dma_start3A_55 : memref<1x128xi32, #tpu.memory_space<vmem>> -> memref<128xi32, #tpu.memory_space<vmem>>
      %dma_start3A_57 = arith.constant 0 : i32
      %dma_start3A_58 = arith.constant 0 : i32
      %dma_start3A_59 = tpu.memref_slice %arg15[%dma_start3A_57, %dma_start3A_58] : memref<10240x16xf32, #tpu.memory_space<vmem_shared>> -> memref<10240x16xf32, #tpu.memory_space<vmem_shared>>
      tpu.enqueue_indirect_dma source(%dma_start3A_59 : memref<10240x16xf32, #tpu.memory_space<vmem_shared>>) target(%dma_start3A_53 : memref<128x16xf32, #tpu.memory_space<vmem>>) offsets(%dma_start3A_56 : memref<128xi32, #tpu.memory_space<vmem>>) semaphore(%arg18 : memref<!tpu.dma_semaphore, #tpu.memory_space<semaphore_mem>>)
      %dma_wait3A = arith.constant 0 : i32
      %dma_wait3A_60 = arith.constant 0 : i32
      %dma_wait3A_61 = tpu.memref_slice %arg9[%dma_wait3A, %dma_wait3A_60] : memref<128x64xbf16, #tpu.memory_space<vmem>> -> memref<128x64xbf16, #tpu.memory_space<vmem>>
      %dma_wait3A_62 = arith.constant 0 : i32
      %dma_wait3A_63 = tpu.memref_slice %arg7[%add3A_33, %dma_wait3A_62] : memref<82x128xi32, #tpu.memory_space<vmem>> -> memref<1x128xi32, #tpu.memory_space<vmem>>
      %dma_wait3A_64 = tpu.memref_squeeze %dma_wait3A_63 : memref<1x128xi32, #tpu.memory_space<vmem>> -> memref<128xi32, #tpu.memory_space<vmem>>
      %dma_wait3A_65 = arith.constant 0 : i32
      %dma_wait3A_66 = arith.constant 0 : i32
      %dma_wait3A_67 = tpu.memref_slice %arg14[%dma_wait3A_65, %dma_wait3A_66] : memref<10240x64xbf16, #tpu.memory_space<vmem_shared>> -> memref<10240x64xbf16, #tpu.memory_space<vmem_shared>>
      tpu.wait_indirect_dma semaphore(%arg16 : memref<!tpu.dma_semaphore, #tpu.memory_space<semaphore_mem>>) src(%dma_wait3A_67 : memref<10240x64xbf16, #tpu.memory_space<vmem_shared>>) dst(%dma_wait3A_61 : memref<128x64xbf16, #tpu.memory_space<vmem>>)
      %dma_wait3A_68 = arith.constant 0 : i32
      %dma_wait3A_69 = arith.constant 0 : i32
      %dma_wait3A_70 = tpu.memref_slice %arg10[%dma_wait3A_68, %dma_wait3A_69] : memref<128x16xf32, #tpu.memory_space<vmem>> -> memref<128x16xf32, #tpu.memory_space<vmem>>
      %dma_wait3A_71 = arith.constant 0 : i32
      %dma_wait3A_72 = tpu.memref_slice %arg7[%add3A_33, %dma_wait3A_71] : memref<82x128xi32, #tpu.memory_space<vmem>> -> memref<1x128xi32, #tpu.memory_space<vmem>>
      %dma_wait3A_73 = tpu.memref_squeeze %dma_wait3A_72 : memref<1x128xi32, #tpu.memory_space<vmem>> -> memref<128xi32, #tpu.memory_space<vmem>>
      %dma_wait3A_74 = arith.constant 0 : i32
      %dma_wait3A_75 = arith.constant 0 : i32
      %dma_wait3A_76 = tpu.memref_slice %arg15[%dma_wait3A_74, %dma_wait3A_75] : memref<10240x16xf32, #tpu.memory_space<vmem_shared>> -> memref<10240x16xf32, #tpu.memory_space<vmem_shared>>
      tpu.wait_indirect_dma semaphore(%arg17 : memref<!tpu.dma_semaphore, #tpu.memory_space<semaphore_mem>>) src(%dma_wait3A_76 : memref<10240x16xf32, #tpu.memory_space<vmem_shared>>) dst(%dma_wait3A_70 : memref<128x16xf32, #tpu.memory_space<vmem>>)
      %dma_wait3A_77 = arith.constant 0 : i32
      %dma_wait3A_78 = arith.constant 0 : i32
      %dma_wait3A_79 = tpu.memref_slice %arg11[%dma_wait3A_77, %dma_wait3A_78] : memref<128x16xf32, #tpu.memory_space<vmem>> -> memref<128x16xf32, #tpu.memory_space<vmem>>
      %dma_wait3A_80 = arith.constant 0 : i32
      %dma_wait3A_81 = tpu.memref_slice %arg8[%add3A_33, %dma_wait3A_80] : memref<82x128xi32, #tpu.memory_space<vmem>> -> memref<1x128xi32, #tpu.memory_space<vmem>>
      %dma_wait3A_82 = tpu.memref_squeeze %dma_wait3A_81 : memref<1x128xi32, #tpu.memory_space<vmem>> -> memref<128xi32, #tpu.memory_space<vmem>>
      %dma_wait3A_83 = arith.constant 0 : i32
      %dma_wait3A_84 = arith.constant 0 : i32
      %dma_wait3A_85 = tpu.memref_slice %arg15[%dma_wait3A_83, %dma_wait3A_84] : memref<10240x16xf32, #tpu.memory_space<vmem_shared>> -> memref<10240x16xf32, #tpu.memory_space<vmem_shared>>
      tpu.wait_indirect_dma semaphore(%arg18 : memref<!tpu.dma_semaphore, #tpu.memory_space<semaphore_mem>>) src(%dma_wait3A_85 : memref<10240x16xf32, #tpu.memory_space<vmem_shared>>) dst(%dma_wait3A_79 : memref<128x16xf32, #tpu.memory_space<vmem>>)
      %iota3A = tpu.iota {dimensions = array<i32: 0>} : vector<16xi32>
      %and3A = arith.constant 7 : i32
      %and3A_86 = vector.broadcast %and3A : i32 to vector<16xi32>
      %and3A_87 = arith.andi %iota3A, %and3A_86 : vector<16xi32>
      %parallel_loop3A = arith.constant 0 : i32
      %parallel_loop3A_88 = arith.constant 128 : i32
      %parallel_loop3A_89 = arith.constant 1 : i32
      scf.for %parallel_loop3A_93 = %parallel_loop3A to %parallel_loop3A_88 step %parallel_loop3A_89  : i32 {
        %parallel_loop3A_94 = arith.index_cast %parallel_loop3A_93 : i32 to index
        %parallel_loop3A_95 = arith.constant 0 : index
        %parallel_loop3A_96 = tpu.vector_load %arg10[%parallel_loop3A_94, %parallel_loop3A_95] {strides = array<i32>} : memref<128x16xf32, #tpu.memory_space<vmem>>, vector<16xf32>,
        %parallel_loop3A_97 = arith.index_cast %parallel_loop3A_93 : i32 to index
        %parallel_loop3A_98 = arith.constant 0 : index
        %parallel_loop3A_99 = tpu.vector_load %arg11[%parallel_loop3A_97, %parallel_loop3A_98] {strides = array<i32>} : memref<128x16xf32, #tpu.memory_space<vmem>>, vector<16xf32>,
        %parallel_loop3A_100 = arith.constant 8 : i32
        %parallel_loop3A_101 = vector.broadcast %parallel_loop3A_100 : i32 to vector<16xi32>
        %parallel_loop3A_102 = arith.addi %and3A_87, %parallel_loop3A_101 : vector<16xi32>
        %parallel_loop3A_103 = vector.shape_cast %parallel_loop3A_102 : vector<16xi32> to vector<16x1xi32>
        %parallel_loop3A_104 = vector.shape_cast %parallel_loop3A_103 : vector<16x1xi32> to vector<16xi32>
        %parallel_loop3A_105 = tpu.dynamic_gather %parallel_loop3A_99[%parallel_loop3A_104] in [0] : vector<16xf32>, vector<16xi32> -> vector<16xf32>
        %parallel_loop3A_106 = arith.addf %parallel_loop3A_96, %parallel_loop3A_105 : vector<16xf32>
        %parallel_loop3A_107 = arith.constant 0.000000e+00 : f32
        %parallel_loop3A_108 = vector.broadcast %parallel_loop3A_107 : f32 to vector<16xf32>
        %parallel_loop3A_109 = arith.cmpf oge, %parallel_loop3A_106, %parallel_loop3A_108 : vector<16xf32>
        %parallel_loop3A_110 = arith.constant 2.000000e-01 : f32
        %parallel_loop3A_111 = vector.broadcast %parallel_loop3A_110 : f32 to vector<16xf32>
        %parallel_loop3A_112 = arith.mulf %parallel_loop3A_106, %parallel_loop3A_111 : vector<16xf32>
        %parallel_loop3A_113 = arith.select %parallel_loop3A_109, %parallel_loop3A_106, %parallel_loop3A_112 : vector<16xi1>, vector<16xf32>
        %parallel_loop3A_114 = math.exp %parallel_loop3A_113 : vector<16xf32>
        %parallel_loop3A_115 = vector.shape_cast %and3A_87 : vector<16xi32> to vector<16x1xi32>
        %parallel_loop3A_116 = vector.shape_cast %parallel_loop3A_115 : vector<16x1xi32> to vector<16xi32>
        %parallel_loop3A_117 = tpu.dynamic_gather %parallel_loop3A_114[%parallel_loop3A_116] in [0] : vector<16xf32>, vector<16xi32> -> vector<16xf32>
        %parallel_loop3A_118 = arith.index_cast %parallel_loop3A_93 : i32 to index
        %parallel_loop3A_119 = arith.constant 56 : index
        %parallel_loop3A_120 = tpu.vector_load %arg12[%parallel_loop3A_118, %parallel_loop3A_119] {strides = array<i32>} : memref<128x72xf32, #tpu.memory_space<vmem>>, vector<16xf32>,
        tpu.vector_store %arg12[%parallel_loop3A_118, %parallel_loop3A_119], %parallel_loop3A_117 {strides = array<i32>} : memref<128x72xf32, #tpu.memory_space<vmem>>, vector<16xf32>,
        %parallel_loop3A_121 = arith.index_cast %parallel_loop3A_93 : i32 to index
        %parallel_loop3A_122 = arith.constant 0 : index
        %parallel_loop3A_123 = tpu.vector_load %arg9[%parallel_loop3A_121, %parallel_loop3A_122] {strides = array<i32>} : memref<128x64xbf16, #tpu.memory_space<vmem>>, vector<32xbf16>,
        %parallel_loop3A_124 = tpu.unpack_subelements %parallel_loop3A_123, 0 {pack_format = #tpu.pack_format<interleaved>} : vector<32xbf16> -> vector<16xf32>
        %parallel_loop3A_125 = tpu.unpack_subelements %parallel_loop3A_123, 1 {pack_format = #tpu.pack_format<interleaved>} : vector<32xbf16> -> vector<16xf32>
        %parallel_loop3A_126 = arith.mulf %parallel_loop3A_124, %parallel_loop3A_117 : vector<16xf32>
        %parallel_loop3A_127 = arith.index_cast %parallel_loop3A_93 : i32 to index
        %parallel_loop3A_128 = arith.constant 0 : index
        %parallel_loop3A_129 = tpu.vector_load %arg12[%parallel_loop3A_127, %parallel_loop3A_128] {strides = array<i32>} : memref<128x72xf32, #tpu.memory_space<vmem>>, vector<16xf32>,
        tpu.vector_store %arg12[%parallel_loop3A_127, %parallel_loop3A_128], %parallel_loop3A_126 {strides = array<i32>} : memref<128x72xf32, #tpu.memory_space<vmem>>, vector<16xf32>,
        %parallel_loop3A_130 = arith.mulf %parallel_loop3A_125, %parallel_loop3A_117 : vector<16xf32>
        %parallel_loop3A_131 = arith.index_cast %parallel_loop3A_93 : i32 to index
        %parallel_loop3A_132 = arith.constant 16 : index
        %parallel_loop3A_133 = tpu.vector_load %arg12[%parallel_loop3A_131, %parallel_loop3A_132] {strides = array<i32>} : memref<128x72xf32, #tpu.memory_space<vmem>>, vector<16xf32>,
        tpu.vector_store %arg12[%parallel_loop3A_131, %parallel_loop3A_132], %parallel_loop3A_130 {strides = array<i32>} : memref<128x72xf32, #tpu.memory_space<vmem>>, vector<16xf32>,
        %parallel_loop3A_134 = arith.index_cast %parallel_loop3A_93 : i32 to index
        %parallel_loop3A_135 = arith.constant 32 : index
        %parallel_loop3A_136 = tpu.vector_load %arg9[%parallel_loop3A_134, %parallel_loop3A_135] {strides = array<i32>} : memref<128x64xbf16, #tpu.memory_space<vmem>>, vector<32xbf16>,
        %parallel_loop3A_137 = tpu.unpack_subelements %parallel_loop3A_136, 0 {pack_format = #tpu.pack_format<interleaved>} : vector<32xbf16> -> vector<16xf32>
        %parallel_loop3A_138 = tpu.unpack_subelements %parallel_loop3A_136, 1 {pack_format = #tpu.pack_format<interleaved>} : vector<32xbf16> -> vector<16xf32>
        %parallel_loop3A_139 = arith.mulf %parallel_loop3A_137, %parallel_loop3A_117 : vector<16xf32>
        %parallel_loop3A_140 = arith.index_cast %parallel_loop3A_93 : i32 to index
        %parallel_loop3A_141 = arith.constant 32 : index
        %parallel_loop3A_142 = tpu.vector_load %arg12[%parallel_loop3A_140, %parallel_loop3A_141] {strides = array<i32>} : memref<128x72xf32, #tpu.memory_space<vmem>>, vector<16xf32>,
        tpu.vector_store %arg12[%parallel_loop3A_140, %parallel_loop3A_141], %parallel_loop3A_139 {strides = array<i32>} : memref<128x72xf32, #tpu.memory_space<vmem>>, vector<16xf32>,
        %parallel_loop3A_143 = arith.mulf %parallel_loop3A_138, %parallel_loop3A_117 : vector<16xf32>
        %parallel_loop3A_144 = arith.index_cast %parallel_loop3A_93 : i32 to index
        %parallel_loop3A_145 = arith.constant 48 : index
        %parallel_loop3A_146 = tpu.vector_load %arg12[%parallel_loop3A_144, %parallel_loop3A_145] {strides = array<i32>} : memref<128x72xf32, #tpu.memory_space<vmem>>, vector<16xf32>,
        tpu.vector_store %arg12[%parallel_loop3A_144, %parallel_loop3A_145], %parallel_loop3A_143 {strides = array<i32>} : memref<128x72xf32, #tpu.memory_space<vmem>>, vector<16xf32>,
      } {sc.loop_unroll_factor = 4 : i64, sc.parallel_access}
      %add3A_90 = arith.constant 0 : i32
      %add3A_91 = arith.addi %mul3A_31, %add3A_90 : i32
      "tpu.region"() ({
        %run_scoped3A = tpu.sem_alloc : memref<!tpu.dma_semaphore, #tpu.memory_space<semaphore_mem>>
        %dma_start3A_93 = arith.constant 0 : i32
        %dma_start3A_94 = arith.constant 0 : i32
        %dma_start3A_95 = tpu.memref_slice %arg12[%dma_start3A_93, %dma_start3A_94] : memref<128x72xf32, #tpu.memory_space<vmem>> -> memref<128x72xf32, #tpu.memory_space<vmem>>
        %dma_start3A_96 = arith.constant 0 : i32
        %dma_start3A_97 = tpu.memref_slice %arg8[%add3A_91, %dma_start3A_96] : memref<82x128xi32, #tpu.memory_space<vmem>> -> memref<1x128xi32, #tpu.memory_space<vmem>>
        %dma_start3A_98 = tpu.memref_squeeze %dma_start3A_97 : memref<1x128xi32, #tpu.memory_space<vmem>> -> memref<128xi32, #tpu.memory_space<vmem>>
        %dma_start3A_99 = arith.constant 0 : i32
        %dma_start3A_100 = arith.constant 0 : i32
        %dma_start3A_101 = tpu.memref_slice %arg13[%dma_start3A_99, %dma_start3A_100] : memref<10240x72xf32, #tpu.memory_space<vmem_shared>> -> memref<10240x72xf32, #tpu.memory_space<vmem_shared>>
        tpu.enqueue_indirect_dma source(%dma_start3A_95 : memref<128x72xf32, #tpu.memory_space<vmem>>) target(%dma_start3A_101 : memref<10240x72xf32, #tpu.memory_space<vmem_shared>>) offsets(%dma_start3A_98 : memref<128xi32, #tpu.memory_space<vmem>>) semaphore(%run_scoped3A : memref<!tpu.dma_semaphore, #tpu.memory_space<semaphore_mem>>) {add = true}
        %dma_wait3A_102 = arith.constant 0 : i32
        %dma_wait3A_103 = arith.constant 0 : i32
        %dma_wait3A_104 = tpu.memref_slice %arg12[%dma_wait3A_102, %dma_wait3A_103] : memref<128x72xf32, #tpu.memory_space<vmem>> -> memref<128x72xf32, #tpu.memory_space<vmem>>
        %dma_wait3A_105 = arith.constant 0 : i32
        %dma_wait3A_106 = tpu.memref_slice %arg8[%add3A_91, %dma_wait3A_105] : memref<82x128xi32, #tpu.memory_space<vmem>> -> memref<1x128xi32, #tpu.memory_space<vmem>>
        %dma_wait3A_107 = tpu.memref_squeeze %dma_wait3A_106 : memref<1x128xi32, #tpu.memory_space<vmem>> -> memref<128xi32, #tpu.memory_space<vmem>>
        %dma_wait3A_108 = arith.constant 0 : i32
        %dma_wait3A_109 = arith.constant 0 : i32
        %dma_wait3A_110 = tpu.memref_slice %arg13[%dma_wait3A_108, %dma_wait3A_109] : memref<10240x72xf32, #tpu.memory_space<vmem_shared>> -> memref<10240x72xf32, #tpu.memory_space<vmem_shared>>
        tpu.wait_indirect_dma semaphore(%run_scoped3A : memref<!tpu.dma_semaphore, #tpu.memory_space<semaphore_mem>>) src(%dma_wait3A_104 : memref<128x72xf32, #tpu.memory_space<vmem>>) dst(%dma_wait3A_110 : memref<10240x72xf32, #tpu.memory_space<vmem_shared>>)
        tpu.yield
      }) : () -> ()
      %scan3A_92 = arith.constant 0 : i32
      scf.yield %scan3A_92 : i32
    }
    %scan3A_26 = arith.constant 82 : i32
    %barrier3A_27 = arith.constant 0 : index
    tpu.barrier barrier_id(%barrier3A_27)
    "tpu.region"() ({
      %run_scoped3A = tpu.sem_alloc : memref<!tpu.dma_semaphore, #tpu.memory_space<semaphore_mem>>
      %dma_start3A = arith.constant 0 : i32
      %dma_start3A_28 = tpu.memref_slice %arg6[%arg0, %mul3A_9, %dma_start3A] : memref<2x10240x72xf32, #tpu.memory_space<hbm>> -> memref<1x640x72xf32, #tpu.memory_space<hbm>>
      %dma_start3A_29 = tpu.memref_squeeze %dma_start3A_28 : memref<1x640x72xf32, #tpu.memory_space<hbm>> -> memref<640x72xf32, #tpu.memory_space<hbm>>
      %dma_start3A_30 = arith.constant 0 : i32
      %dma_start3A_31 = tpu.memref_slice %arg13[%mul3A_9, %dma_start3A_30] : memref<10240x72xf32, #tpu.memory_space<vmem_shared>> -> memref<640x72xf32, #tpu.memory_space<vmem_shared>>
      tpu.enqueue_dma source(%dma_start3A_31 : memref<640x72xf32, #tpu.memory_space<vmem_shared>>) target(%dma_start3A_29 : memref<640x72xf32, #tpu.memory_space<hbm>>) target_semaphore(%run_scoped3A : memref<!tpu.dma_semaphore, #tpu.memory_space<semaphore_mem>>)
      %dma_wait3A = arith.constant 0 : i32
      %dma_wait3A_32 = tpu.memref_slice %arg6[%arg0, %mul3A_9, %dma_wait3A] : memref<2x10240x72xf32, #tpu.memory_space<hbm>> -> memref<1x640x72xf32, #tpu.memory_space<hbm>>
      %dma_wait3A_33 = tpu.memref_squeeze %dma_wait3A_32 : memref<1x640x72xf32, #tpu.memory_space<hbm>> -> memref<640x72xf32, #tpu.memory_space<hbm>>
      %dma_wait3A_34 = arith.constant 0 : i32
      %dma_wait3A_35 = tpu.memref_slice %arg13[%mul3A_9, %dma_wait3A_34] : memref<10240x72xf32, #tpu.memory_space<vmem_shared>> -> memref<640x72xf32, #tpu.memory_space<vmem_shared>>
      tpu.wait_dma2 semaphore(%run_scoped3A : memref<!tpu.dma_semaphore, #tpu.memory_space<semaphore_mem>>) src(%dma_wait3A_35 : memref<640x72xf32, #tpu.memory_space<vmem_shared>>) dst(%dma_wait3A_33 : memref<640x72xf32, #tpu.memory_space<hbm>>)
      tpu.yield
    }) : () -> ()
    return
  }
}

#map = affine_map<(d0, d1) -> (0, 0)>
#map1 = affine_map<(d0, d1) -> (0, 0, 0)>
module attributes {stable_mosaic.version = 14 : i64} {
  func.func @body(%arg0: i32, %arg1: i32, %arg2: memref<10240x16xf32, #tpu.memory_space<hbm>>, %arg3: memref<32x82x128xi32, #tpu.memory_space<hbm>>, %arg4: memref<32x82x128xi32, #tpu.memory_space<hbm>>, %arg5: memref<2x10240x16xf32, #tpu.memory_space<hbm>>, %arg6: memref<82x128xi32, #tpu.memory_space<vmem>>, %arg7: memref<82x128xi32, #tpu.memory_space<vmem>>, %arg8: memref<256x16xf32, #tpu.memory_space<vmem>>, %arg9: memref<256x16xf32, #tpu.memory_space<vmem>>, %arg10: memref<256x16xf32, #tpu.memory_space<vmem>>, %arg11: memref<10240x16xf32, #tpu.memory_space<vmem_shared>>, %arg12: memref<10240x16xf32, #tpu.memory_space<vmem_shared>>, %arg13: memref<!tpu.dma_semaphore, #tpu.memory_space<semaphore_mem>>, %arg14: memref<!tpu.dma_semaphore, #tpu.memory_space<semaphore_mem>>, %arg15: memref<!tpu.dma_semaphore, #tpu.memory_space<semaphore_mem>>) attributes {dimension_semantics = [#tpu.dimension_semantics<core_parallel>, #tpu.dimension_semantics<subcore_parallel>], iteration_bounds = array<i64: 2, 16>, scalar_prefetch = 0 : i64, scratch_operands = 10 : i64, tpu.core_type = #tpu.core_type<sc_vector_subcore>, window_params = [{transform_indices = #map}, {transform_indices = #map1}, {transform_indices = #map1}, {transform_indices = #map1}]} {
    %mul3A = arith.constant 16 : i32
    %mul3A_0 = arith.muli %arg0, %mul3A : i32
    %add3A = arith.addi %mul3A_0, %arg1 : i32
    %broadcast_in_dim3A = arith.constant 0.000000e+00 : f32
    %broadcast_in_dim3A_1 = vector.broadcast %broadcast_in_dim3A : f32 to vector<16xf32>
    %scan3A = arith.constant 0 : i32
    %scan3A_2 = arith.constant 0 : i32
    %scan3A_3 = arith.constant 256 : i32
    %scan3A_4 = arith.addi %scan3A_2, %scan3A_3 : i32
    %scan3A_5 = arith.constant 1 : i32
    %scan3A_6 = scf.for %scan3A_24 = %scan3A_2 to %scan3A_4 step %scan3A_5 iter_args(%scan3A_25 = %scan3A) -> (i32)  : i32 {
      %swap3A = arith.index_cast %scan3A_24 : i32 to index
      %swap3A_26 = arith.constant 0 : index
      %swap3A_27 = tpu.vector_load %arg10[%swap3A, %swap3A_26] {strides = array<i32>} : memref<256x16xf32, #tpu.memory_space<vmem>>, vector<16xf32>,
      tpu.vector_store %arg10[%swap3A, %swap3A_26], %broadcast_in_dim3A_1 {strides = array<i32>} : memref<256x16xf32, #tpu.memory_space<vmem>>, vector<16xf32>,
      %scan3A_28 = arith.constant 0 : i32
      scf.yield %scan3A_28 : i32
    }
    %scan3A_7 = arith.constant 256 : i32
    %mul3A_8 = arith.constant 640 : i32
    %mul3A_9 = arith.muli %arg1, %mul3A_8 : i32
    %add3A_10 = arith.constant 0 : i32
    %add3A_11 = arith.addi %mul3A_9, %add3A_10 : i32
    "tpu.region"() ({
      %run_scoped3A = tpu.sem_alloc : memref<!tpu.dma_semaphore, #tpu.memory_space<semaphore_mem>>
      %dma_start3A = arith.constant 0 : i32
      %dma_start3A_24 = tpu.memref_slice %arg11[%add3A_11, %dma_start3A] : memref<10240x16xf32, #tpu.memory_space<vmem_shared>> -> memref<256x16xf32, #tpu.memory_space<vmem_shared>>
      %dma_start3A_25 = arith.constant 0 : i32
      %dma_start3A_26 = tpu.memref_slice %arg11[%add3A_11, %dma_start3A_25] : memref<10240x16xf32, #tpu.memory_space<vmem_shared>> -> memref<256x16xf32, #tpu.memory_space<vmem_shared>>
      tpu.enqueue_dma source(%arg10 : memref<256x16xf32, #tpu.memory_space<vmem>>) target(%dma_start3A_26 : memref<256x16xf32, #tpu.memory_space<vmem_shared>>) target_semaphore(%run_scoped3A : memref<!tpu.dma_semaphore, #tpu.memory_space<semaphore_mem>>)
      %dma_wait3A = arith.constant 0 : i32
      %dma_wait3A_27 = tpu.memref_slice %arg11[%add3A_11, %dma_wait3A] : memref<10240x16xf32, #tpu.memory_space<vmem_shared>> -> memref<256x16xf32, #tpu.memory_space<vmem_shared>>
      %dma_wait3A_28 = arith.constant 0 : i32
      %dma_wait3A_29 = tpu.memref_slice %arg11[%add3A_11, %dma_wait3A_28] : memref<10240x16xf32, #tpu.memory_space<vmem_shared>> -> memref<256x16xf32, #tpu.memory_space<vmem_shared>>
      tpu.wait_dma2 semaphore(%run_scoped3A : memref<!tpu.dma_semaphore, #tpu.memory_space<semaphore_mem>>) src(%arg10 : memref<256x16xf32, #tpu.memory_space<vmem>>) dst(%dma_wait3A_29 : memref<256x16xf32, #tpu.memory_space<vmem_shared>>)
      tpu.yield
    }) : () -> ()
    %add3A_12 = arith.constant 256 : i32
    %add3A_13 = arith.addi %mul3A_9, %add3A_12 : i32
    "tpu.region"() ({
      %run_scoped3A = tpu.sem_alloc : memref<!tpu.dma_semaphore, #tpu.memory_space<semaphore_mem>>
      %dma_start3A = arith.constant 0 : i32
      %dma_start3A_24 = tpu.memref_slice %arg11[%add3A_13, %dma_start3A] : memref<10240x16xf32, #tpu.memory_space<vmem_shared>> -> memref<256x16xf32, #tpu.memory_space<vmem_shared>>
      %dma_start3A_25 = arith.constant 0 : i32
      %dma_start3A_26 = tpu.memref_slice %arg11[%add3A_13, %dma_start3A_25] : memref<10240x16xf32, #tpu.memory_space<vmem_shared>> -> memref<256x16xf32, #tpu.memory_space<vmem_shared>>
      tpu.enqueue_dma source(%arg10 : memref<256x16xf32, #tpu.memory_space<vmem>>) target(%dma_start3A_26 : memref<256x16xf32, #tpu.memory_space<vmem_shared>>) target_semaphore(%run_scoped3A : memref<!tpu.dma_semaphore, #tpu.memory_space<semaphore_mem>>)
      %dma_wait3A = arith.constant 0 : i32
      %dma_wait3A_27 = tpu.memref_slice %arg11[%add3A_13, %dma_wait3A] : memref<10240x16xf32, #tpu.memory_space<vmem_shared>> -> memref<256x16xf32, #tpu.memory_space<vmem_shared>>
      %dma_wait3A_28 = arith.constant 0 : i32
      %dma_wait3A_29 = tpu.memref_slice %arg11[%add3A_13, %dma_wait3A_28] : memref<10240x16xf32, #tpu.memory_space<vmem_shared>> -> memref<256x16xf32, #tpu.memory_space<vmem_shared>>
      tpu.wait_dma2 semaphore(%run_scoped3A : memref<!tpu.dma_semaphore, #tpu.memory_space<semaphore_mem>>) src(%arg10 : memref<256x16xf32, #tpu.memory_space<vmem>>) dst(%dma_wait3A_29 : memref<256x16xf32, #tpu.memory_space<vmem_shared>>)
      tpu.yield
    }) : () -> ()
    %add3A_14 = arith.constant 512 : i32
    %add3A_15 = arith.addi %mul3A_9, %add3A_14 : i32
    "tpu.region"() ({
      %run_scoped3A = tpu.sem_alloc : memref<!tpu.dma_semaphore, #tpu.memory_space<semaphore_mem>>
      %dma_start3A = arith.constant 0 : i32
      %dma_start3A_24 = arith.constant 0 : i32
      %dma_start3A_25 = tpu.memref_slice %arg10[%dma_start3A, %dma_start3A_24] : memref<256x16xf32, #tpu.memory_space<vmem>> -> memref<128x16xf32, #tpu.memory_space<vmem>>
      %dma_start3A_26 = arith.constant 0 : i32
      %dma_start3A_27 = tpu.memref_slice %arg11[%add3A_15, %dma_start3A_26] : memref<10240x16xf32, #tpu.memory_space<vmem_shared>> -> memref<128x16xf32, #tpu.memory_space<vmem_shared>>
      %dma_start3A_28 = arith.constant 0 : i32
      %dma_start3A_29 = tpu.memref_slice %arg11[%add3A_15, %dma_start3A_28] : memref<10240x16xf32, #tpu.memory_space<vmem_shared>> -> memref<128x16xf32, #tpu.memory_space<vmem_shared>>
      %dma_start3A_30 = arith.constant 0 : i32
      %dma_start3A_31 = arith.constant 0 : i32
      %dma_start3A_32 = tpu.memref_slice %arg10[%dma_start3A_30, %dma_start3A_31] : memref<256x16xf32, #tpu.memory_space<vmem>> -> memref<128x16xf32, #tpu.memory_space<vmem>>
      tpu.enqueue_dma source(%dma_start3A_32 : memref<128x16xf32, #tpu.memory_space<vmem>>) target(%dma_start3A_29 : memref<128x16xf32, #tpu.memory_space<vmem_shared>>) target_semaphore(%run_scoped3A : memref<!tpu.dma_semaphore, #tpu.memory_space<semaphore_mem>>)
      %dma_wait3A = arith.constant 0 : i32
      %dma_wait3A_33 = arith.constant 0 : i32
      %dma_wait3A_34 = tpu.memref_slice %arg10[%dma_wait3A, %dma_wait3A_33] : memref<256x16xf32, #tpu.memory_space<vmem>> -> memref<128x16xf32, #tpu.memory_space<vmem>>
      %dma_wait3A_35 = arith.constant 0 : i32
      %dma_wait3A_36 = tpu.memref_slice %arg11[%add3A_15, %dma_wait3A_35] : memref<10240x16xf32, #tpu.memory_space<vmem_shared>> -> memref<128x16xf32, #tpu.memory_space<vmem_shared>>
      %dma_wait3A_37 = arith.constant 0 : i32
      %dma_wait3A_38 = tpu.memref_slice %arg11[%add3A_15, %dma_wait3A_37] : memref<10240x16xf32, #tpu.memory_space<vmem_shared>> -> memref<128x16xf32, #tpu.memory_space<vmem_shared>>
      %dma_wait3A_39 = arith.constant 0 : i32
      %dma_wait3A_40 = arith.constant 0 : i32
      %dma_wait3A_41 = tpu.memref_slice %arg10[%dma_wait3A_39, %dma_wait3A_40] : memref<256x16xf32, #tpu.memory_space<vmem>> -> memref<128x16xf32, #tpu.memory_space<vmem>>
      tpu.wait_dma2 semaphore(%run_scoped3A : memref<!tpu.dma_semaphore, #tpu.memory_space<semaphore_mem>>) src(%dma_wait3A_41 : memref<128x16xf32, #tpu.memory_space<vmem>>) dst(%dma_wait3A_38 : memref<128x16xf32, #tpu.memory_space<vmem_shared>>)
      tpu.yield
    }) : () -> ()
    "tpu.region"() ({
      %run_scoped3A = tpu.sem_alloc : memref<!tpu.dma_semaphore, #tpu.memory_space<semaphore_mem>>
      %dma_start3A = arith.constant 0 : i32
      %dma_start3A_24 = tpu.memref_slice %arg12[%mul3A_9, %dma_start3A] : memref<10240x16xf32, #tpu.memory_space<vmem_shared>> -> memref<640x16xf32, #tpu.memory_space<vmem_shared>>
      %dma_start3A_25 = arith.constant 0 : i32
      %dma_start3A_26 = tpu.memref_slice %arg2[%mul3A_9, %dma_start3A_25] : memref<10240x16xf32, #tpu.memory_space<hbm>> -> memref<640x16xf32, #tpu.memory_space<hbm>>
      tpu.enqueue_dma source(%dma_start3A_26 : memref<640x16xf32, #tpu.memory_space<hbm>>) target(%dma_start3A_24 : memref<640x16xf32, #tpu.memory_space<vmem_shared>>) target_semaphore(%run_scoped3A : memref<!tpu.dma_semaphore, #tpu.memory_space<semaphore_mem>>)
      %dma_wait3A = arith.constant 0 : i32
      %dma_wait3A_27 = tpu.memref_slice %arg12[%mul3A_9, %dma_wait3A] : memref<10240x16xf32, #tpu.memory_space<vmem_shared>> -> memref<640x16xf32, #tpu.memory_space<vmem_shared>>
      %dma_wait3A_28 = arith.constant 0 : i32
      %dma_wait3A_29 = tpu.memref_slice %arg2[%mul3A_9, %dma_wait3A_28] : memref<10240x16xf32, #tpu.memory_space<hbm>> -> memref<640x16xf32, #tpu.memory_space<hbm>>
      tpu.wait_dma2 semaphore(%run_scoped3A : memref<!tpu.dma_semaphore, #tpu.memory_space<semaphore_mem>>) src(%dma_wait3A_29 : memref<640x16xf32, #tpu.memory_space<hbm>>) dst(%dma_wait3A_27 : memref<640x16xf32, #tpu.memory_space<vmem_shared>>)
      tpu.yield
    }) : () -> ()
    %barrier3A = arith.constant 0 : index
    tpu.barrier barrier_id(%barrier3A)
    "tpu.region"() ({
      %run_scoped3A = tpu.sem_alloc : memref<!tpu.dma_semaphore, #tpu.memory_space<semaphore_mem>>
      %dma_start3A = arith.constant 0 : i32
      %dma_start3A_24 = arith.constant 0 : i32
      %dma_start3A_25 = tpu.memref_slice %arg3[%add3A, %dma_start3A, %dma_start3A_24] : memref<32x82x128xi32, #tpu.memory_space<hbm>> -> memref<1x82x128xi32, #tpu.memory_space<hbm>>
      %dma_start3A_26 = tpu.memref_squeeze %dma_start3A_25 : memref<1x82x128xi32, #tpu.memory_space<hbm>> -> memref<82x128xi32, #tpu.memory_space<hbm>>
      %dma_start3A_27 = arith.constant 0 : i32
      %dma_start3A_28 = arith.constant 0 : i32
      %dma_start3A_29 = tpu.memref_slice %arg3[%add3A, %dma_start3A_27, %dma_start3A_28] : memref<32x82x128xi32, #tpu.memory_space<hbm>> -> memref<1x82x128xi32, #tpu.memory_space<hbm>>
      %dma_start3A_30 = tpu.memref_squeeze %dma_start3A_29 : memref<1x82x128xi32, #tpu.memory_space<hbm>> -> memref<82x128xi32, #tpu.memory_space<hbm>>
      tpu.enqueue_dma source(%dma_start3A_30 : memref<82x128xi32, #tpu.memory_space<hbm>>) target(%arg6 : memref<82x128xi32, #tpu.memory_space<vmem>>) target_semaphore(%run_scoped3A : memref<!tpu.dma_semaphore, #tpu.memory_space<semaphore_mem>>)
      %dma_wait3A = arith.constant 0 : i32
      %dma_wait3A_31 = arith.constant 0 : i32
      %dma_wait3A_32 = tpu.memref_slice %arg3[%add3A, %dma_wait3A, %dma_wait3A_31] : memref<32x82x128xi32, #tpu.memory_space<hbm>> -> memref<1x82x128xi32, #tpu.memory_space<hbm>>
      %dma_wait3A_33 = tpu.memref_squeeze %dma_wait3A_32 : memref<1x82x128xi32, #tpu.memory_space<hbm>> -> memref<82x128xi32, #tpu.memory_space<hbm>>
      %dma_wait3A_34 = arith.constant 0 : i32
      %dma_wait3A_35 = arith.constant 0 : i32
      %dma_wait3A_36 = tpu.memref_slice %arg3[%add3A, %dma_wait3A_34, %dma_wait3A_35] : memref<32x82x128xi32, #tpu.memory_space<hbm>> -> memref<1x82x128xi32, #tpu.memory_space<hbm>>
      %dma_wait3A_37 = tpu.memref_squeeze %dma_wait3A_36 : memref<1x82x128xi32, #tpu.memory_space<hbm>> -> memref<82x128xi32, #tpu.memory_space<hbm>>
      tpu.wait_dma2 semaphore(%run_scoped3A : memref<!tpu.dma_semaphore, #tpu.memory_space<semaphore_mem>>) src(%dma_wait3A_37 : memref<82x128xi32, #tpu.memory_space<hbm>>) dst(%arg6 : memref<82x128xi32, #tpu.memory_space<vmem>>)
      tpu.yield
    }) : () -> ()
    "tpu.region"() ({
      %run_scoped3A = tpu.sem_alloc : memref<!tpu.dma_semaphore, #tpu.memory_space<semaphore_mem>>
      %dma_start3A = arith.constant 0 : i32
      %dma_start3A_24 = arith.constant 0 : i32
      %dma_start3A_25 = tpu.memref_slice %arg4[%add3A, %dma_start3A, %dma_start3A_24] : memref<32x82x128xi32, #tpu.memory_space<hbm>> -> memref<1x82x128xi32, #tpu.memory_space<hbm>>
      %dma_start3A_26 = tpu.memref_squeeze %dma_start3A_25 : memref<1x82x128xi32, #tpu.memory_space<hbm>> -> memref<82x128xi32, #tpu.memory_space<hbm>>
      %dma_start3A_27 = arith.constant 0 : i32
      %dma_start3A_28 = arith.constant 0 : i32
      %dma_start3A_29 = tpu.memref_slice %arg4[%add3A, %dma_start3A_27, %dma_start3A_28] : memref<32x82x128xi32, #tpu.memory_space<hbm>> -> memref<1x82x128xi32, #tpu.memory_space<hbm>>
      %dma_start3A_30 = tpu.memref_squeeze %dma_start3A_29 : memref<1x82x128xi32, #tpu.memory_space<hbm>> -> memref<82x128xi32, #tpu.memory_space<hbm>>
      tpu.enqueue_dma source(%dma_start3A_30 : memref<82x128xi32, #tpu.memory_space<hbm>>) target(%arg7 : memref<82x128xi32, #tpu.memory_space<vmem>>) target_semaphore(%run_scoped3A : memref<!tpu.dma_semaphore, #tpu.memory_space<semaphore_mem>>)
      %dma_wait3A = arith.constant 0 : i32
      %dma_wait3A_31 = arith.constant 0 : i32
      %dma_wait3A_32 = tpu.memref_slice %arg4[%add3A, %dma_wait3A, %dma_wait3A_31] : memref<32x82x128xi32, #tpu.memory_space<hbm>> -> memref<1x82x128xi32, #tpu.memory_space<hbm>>
      %dma_wait3A_33 = tpu.memref_squeeze %dma_wait3A_32 : memref<1x82x128xi32, #tpu.memory_space<hbm>> -> memref<82x128xi32, #tpu.memory_space<hbm>>
      %dma_wait3A_34 = arith.constant 0 : i32
      %dma_wait3A_35 = arith.constant 0 : i32
      %dma_wait3A_36 = tpu.memref_slice %arg4[%add3A, %dma_wait3A_34, %dma_wait3A_35] : memref<32x82x128xi32, #tpu.memory_space<hbm>> -> memref<1x82x128xi32, #tpu.memory_space<hbm>>
      %dma_wait3A_37 = tpu.memref_squeeze %dma_wait3A_36 : memref<1x82x128xi32, #tpu.memory_space<hbm>> -> memref<82x128xi32, #tpu.memory_space<hbm>>
      tpu.wait_dma2 semaphore(%run_scoped3A : memref<!tpu.dma_semaphore, #tpu.memory_space<semaphore_mem>>) src(%dma_wait3A_37 : memref<82x128xi32, #tpu.memory_space<hbm>>) dst(%arg7 : memref<82x128xi32, #tpu.memory_space<vmem>>)
      tpu.yield
    }) : () -> ()
    %scan3A_16 = arith.constant 0 : i32
    %scan3A_17 = arith.constant 0 : i32
    %scan3A_18 = arith.constant 41 : i32
    %scan3A_19 = arith.addi %scan3A_17, %scan3A_18 : i32
    %scan3A_20 = arith.constant 1 : i32
    %scan3A_21 = scf.for %scan3A_24 = %scan3A_17 to %scan3A_19 step %scan3A_20 iter_args(%scan3A_25 = %scan3A_16) -> (i32)  : i32 {
      %mul3A_26 = arith.constant 2 : i32
      %mul3A_27 = arith.muli %scan3A_24, %mul3A_26 : i32
      %add3A_28 = arith.constant 0 : i32
      %add3A_29 = arith.addi %mul3A_27, %add3A_28 : i32
      %dma_start3A = arith.constant 0 : i32
      %dma_start3A_30 = arith.constant 0 : i32
      %dma_start3A_31 = tpu.memref_slice %arg8[%dma_start3A, %dma_start3A_30] : memref<256x16xf32, #tpu.memory_space<vmem>> -> memref<128x16xf32, #tpu.memory_space<vmem>>
      %dma_start3A_32 = arith.constant 0 : i32
      %dma_start3A_33 = tpu.memref_slice %arg6[%add3A_29, %dma_start3A_32] : memref<82x128xi32, #tpu.memory_space<vmem>> -> memref<1x128xi32, #tpu.memory_space<vmem>>
      %dma_start3A_34 = tpu.memref_squeeze %dma_start3A_33 : memref<1x128xi32, #tpu.memory_space<vmem>> -> memref<128xi32, #tpu.memory_space<vmem>>
      %dma_start3A_35 = arith.constant 0 : i32
      %dma_start3A_36 = arith.constant 0 : i32
      %dma_start3A_37 = tpu.memref_slice %arg12[%dma_start3A_35, %dma_start3A_36] : memref<10240x16xf32, #tpu.memory_space<vmem_shared>> -> memref<10240x16xf32, #tpu.memory_space<vmem_shared>>
      tpu.enqueue_indirect_dma source(%dma_start3A_37 : memref<10240x16xf32, #tpu.memory_space<vmem_shared>>) target(%dma_start3A_31 : memref<128x16xf32, #tpu.memory_space<vmem>>) offsets(%dma_start3A_34 : memref<128xi32, #tpu.memory_space<vmem>>) semaphore(%arg14 : memref<!tpu.dma_semaphore, #tpu.memory_space<semaphore_mem>>)
      %dma_start3A_38 = arith.constant 0 : i32
      %dma_start3A_39 = arith.constant 0 : i32
      %dma_start3A_40 = tpu.memref_slice %arg9[%dma_start3A_38, %dma_start3A_39] : memref<256x16xf32, #tpu.memory_space<vmem>> -> memref<128x16xf32, #tpu.memory_space<vmem>>
      %dma_start3A_41 = arith.constant 0 : i32
      %dma_start3A_42 = tpu.memref_slice %arg7[%add3A_29, %dma_start3A_41] : memref<82x128xi32, #tpu.memory_space<vmem>> -> memref<1x128xi32, #tpu.memory_space<vmem>>
      %dma_start3A_43 = tpu.memref_squeeze %dma_start3A_42 : memref<1x128xi32, #tpu.memory_space<vmem>> -> memref<128xi32, #tpu.memory_space<vmem>>
      %dma_start3A_44 = arith.constant 0 : i32
      %dma_start3A_45 = arith.constant 0 : i32
      %dma_start3A_46 = tpu.memref_slice %arg12[%dma_start3A_44, %dma_start3A_45] : memref<10240x16xf32, #tpu.memory_space<vmem_shared>> -> memref<10240x16xf32, #tpu.memory_space<vmem_shared>>
      tpu.enqueue_indirect_dma source(%dma_start3A_46 : memref<10240x16xf32, #tpu.memory_space<vmem_shared>>) target(%dma_start3A_40 : memref<128x16xf32, #tpu.memory_space<vmem>>) offsets(%dma_start3A_43 : memref<128xi32, #tpu.memory_space<vmem>>) semaphore(%arg15 : memref<!tpu.dma_semaphore, #tpu.memory_space<semaphore_mem>>)
      %add3A_47 = arith.constant 1 : i32
      %add3A_48 = arith.addi %mul3A_27, %add3A_47 : i32
      %dma_start3A_49 = arith.constant 128 : i32
      %dma_start3A_50 = arith.constant 0 : i32
      %dma_start3A_51 = tpu.memref_slice %arg8[%dma_start3A_49, %dma_start3A_50] : memref<256x16xf32, #tpu.memory_space<vmem>> -> memref<128x16xf32, #tpu.memory_space<vmem>>
      %dma_start3A_52 = arith.constant 0 : i32
      %dma_start3A_53 = tpu.memref_slice %arg6[%add3A_48, %dma_start3A_52] : memref<82x128xi32, #tpu.memory_space<vmem>> -> memref<1x128xi32, #tpu.memory_space<vmem>>
      %dma_start3A_54 = tpu.memref_squeeze %dma_start3A_53 : memref<1x128xi32, #tpu.memory_space<vmem>> -> memref<128xi32, #tpu.memory_space<vmem>>
      %dma_start3A_55 = arith.constant 0 : i32
      %dma_start3A_56 = arith.constant 0 : i32
      %dma_start3A_57 = tpu.memref_slice %arg12[%dma_start3A_55, %dma_start3A_56] : memref<10240x16xf32, #tpu.memory_space<vmem_shared>> -> memref<10240x16xf32, #tpu.memory_space<vmem_shared>>
      tpu.enqueue_indirect_dma source(%dma_start3A_57 : memref<10240x16xf32, #tpu.memory_space<vmem_shared>>) target(%dma_start3A_51 : memref<128x16xf32, #tpu.memory_space<vmem>>) offsets(%dma_start3A_54 : memref<128xi32, #tpu.memory_space<vmem>>) semaphore(%arg14 : memref<!tpu.dma_semaphore, #tpu.memory_space<semaphore_mem>>)
      %dma_start3A_58 = arith.constant 128 : i32
      %dma_start3A_59 = arith.constant 0 : i32
      %dma_start3A_60 = tpu.memref_slice %arg9[%dma_start3A_58, %dma_start3A_59] : memref<256x16xf32, #tpu.memory_space<vmem>> -> memref<128x16xf32, #tpu.memory_space<vmem>>
      %dma_start3A_61 = arith.constant 0 : i32
      %dma_start3A_62 = tpu.memref_slice %arg7[%add3A_48, %dma_start3A_61] : memref<82x128xi32, #tpu.memory_space<vmem>> -> memref<1x128xi32, #tpu.memory_space<vmem>>
      %dma_start3A_63 = tpu.memref_squeeze %dma_start3A_62 : memref<1x128xi32, #tpu.memory_space<vmem>> -> memref<128xi32, #tpu.memory_space<vmem>>
      %dma_start3A_64 = arith.constant 0 : i32
      %dma_start3A_65 = arith.constant 0 : i32
      %dma_start3A_66 = tpu.memref_slice %arg12[%dma_start3A_64, %dma_start3A_65] : memref<10240x16xf32, #tpu.memory_space<vmem_shared>> -> memref<10240x16xf32, #tpu.memory_space<vmem_shared>>
      tpu.enqueue_indirect_dma source(%dma_start3A_66 : memref<10240x16xf32, #tpu.memory_space<vmem_shared>>) target(%dma_start3A_60 : memref<128x16xf32, #tpu.memory_space<vmem>>) offsets(%dma_start3A_63 : memref<128xi32, #tpu.memory_space<vmem>>) semaphore(%arg15 : memref<!tpu.dma_semaphore, #tpu.memory_space<semaphore_mem>>)
      %dma_wait3A = arith.constant 0 : i32
      %dma_wait3A_67 = arith.constant 0 : i32
      %dma_wait3A_68 = tpu.memref_slice %arg8[%dma_wait3A, %dma_wait3A_67] : memref<256x16xf32, #tpu.memory_space<vmem>> -> memref<128x16xf32, #tpu.memory_space<vmem>>
      %dma_wait3A_69 = arith.constant 0 : i32
      %dma_wait3A_70 = tpu.memref_slice %arg6[%add3A_29, %dma_wait3A_69] : memref<82x128xi32, #tpu.memory_space<vmem>> -> memref<1x128xi32, #tpu.memory_space<vmem>>
      %dma_wait3A_71 = tpu.memref_squeeze %dma_wait3A_70 : memref<1x128xi32, #tpu.memory_space<vmem>> -> memref<128xi32, #tpu.memory_space<vmem>>
      %dma_wait3A_72 = arith.constant 0 : i32
      %dma_wait3A_73 = arith.constant 0 : i32
      %dma_wait3A_74 = tpu.memref_slice %arg12[%dma_wait3A_72, %dma_wait3A_73] : memref<10240x16xf32, #tpu.memory_space<vmem_shared>> -> memref<10240x16xf32, #tpu.memory_space<vmem_shared>>
      tpu.wait_indirect_dma semaphore(%arg14 : memref<!tpu.dma_semaphore, #tpu.memory_space<semaphore_mem>>) src(%dma_wait3A_74 : memref<10240x16xf32, #tpu.memory_space<vmem_shared>>) dst(%dma_wait3A_68 : memref<128x16xf32, #tpu.memory_space<vmem>>)
      %dma_wait3A_75 = arith.constant 0 : i32
      %dma_wait3A_76 = arith.constant 0 : i32
      %dma_wait3A_77 = tpu.memref_slice %arg9[%dma_wait3A_75, %dma_wait3A_76] : memref<256x16xf32, #tpu.memory_space<vmem>> -> memref<128x16xf32, #tpu.memory_space<vmem>>
      %dma_wait3A_78 = arith.constant 0 : i32
      %dma_wait3A_79 = tpu.memref_slice %arg7[%add3A_29, %dma_wait3A_78] : memref<82x128xi32, #tpu.memory_space<vmem>> -> memref<1x128xi32, #tpu.memory_space<vmem>>
      %dma_wait3A_80 = tpu.memref_squeeze %dma_wait3A_79 : memref<1x128xi32, #tpu.memory_space<vmem>> -> memref<128xi32, #tpu.memory_space<vmem>>
      %dma_wait3A_81 = arith.constant 0 : i32
      %dma_wait3A_82 = arith.constant 0 : i32
      %dma_wait3A_83 = tpu.memref_slice %arg12[%dma_wait3A_81, %dma_wait3A_82] : memref<10240x16xf32, #tpu.memory_space<vmem_shared>> -> memref<10240x16xf32, #tpu.memory_space<vmem_shared>>
      tpu.wait_indirect_dma semaphore(%arg15 : memref<!tpu.dma_semaphore, #tpu.memory_space<semaphore_mem>>) src(%dma_wait3A_83 : memref<10240x16xf32, #tpu.memory_space<vmem_shared>>) dst(%dma_wait3A_77 : memref<128x16xf32, #tpu.memory_space<vmem>>)
      %dma_wait3A_84 = arith.constant 128 : i32
      %dma_wait3A_85 = arith.constant 0 : i32
      %dma_wait3A_86 = tpu.memref_slice %arg8[%dma_wait3A_84, %dma_wait3A_85] : memref<256x16xf32, #tpu.memory_space<vmem>> -> memref<128x16xf32, #tpu.memory_space<vmem>>
      %dma_wait3A_87 = arith.constant 0 : i32
      %dma_wait3A_88 = tpu.memref_slice %arg6[%add3A_48, %dma_wait3A_87] : memref<82x128xi32, #tpu.memory_space<vmem>> -> memref<1x128xi32, #tpu.memory_space<vmem>>
      %dma_wait3A_89 = tpu.memref_squeeze %dma_wait3A_88 : memref<1x128xi32, #tpu.memory_space<vmem>> -> memref<128xi32, #tpu.memory_space<vmem>>
      %dma_wait3A_90 = arith.constant 0 : i32
      %dma_wait3A_91 = arith.constant 0 : i32
      %dma_wait3A_92 = tpu.memref_slice %arg12[%dma_wait3A_90, %dma_wait3A_91] : memref<10240x16xf32, #tpu.memory_space<vmem_shared>> -> memref<10240x16xf32, #tpu.memory_space<vmem_shared>>
      tpu.wait_indirect_dma semaphore(%arg14 : memref<!tpu.dma_semaphore, #tpu.memory_space<semaphore_mem>>) src(%dma_wait3A_92 : memref<10240x16xf32, #tpu.memory_space<vmem_shared>>) dst(%dma_wait3A_86 : memref<128x16xf32, #tpu.memory_space<vmem>>)
      %dma_wait3A_93 = arith.constant 128 : i32
      %dma_wait3A_94 = arith.constant 0 : i32
      %dma_wait3A_95 = tpu.memref_slice %arg9[%dma_wait3A_93, %dma_wait3A_94] : memref<256x16xf32, #tpu.memory_space<vmem>> -> memref<128x16xf32, #tpu.memory_space<vmem>>
      %dma_wait3A_96 = arith.constant 0 : i32
      %dma_wait3A_97 = tpu.memref_slice %arg7[%add3A_48, %dma_wait3A_96] : memref<82x128xi32, #tpu.memory_space<vmem>> -> memref<1x128xi32, #tpu.memory_space<vmem>>
      %dma_wait3A_98 = tpu.memref_squeeze %dma_wait3A_97 : memref<1x128xi32, #tpu.memory_space<vmem>> -> memref<128xi32, #tpu.memory_space<vmem>>
      %dma_wait3A_99 = arith.constant 0 : i32
      %dma_wait3A_100 = arith.constant 0 : i32
      %dma_wait3A_101 = tpu.memref_slice %arg12[%dma_wait3A_99, %dma_wait3A_100] : memref<10240x16xf32, #tpu.memory_space<vmem_shared>> -> memref<10240x16xf32, #tpu.memory_space<vmem_shared>>
      tpu.wait_indirect_dma semaphore(%arg15 : memref<!tpu.dma_semaphore, #tpu.memory_space<semaphore_mem>>) src(%dma_wait3A_101 : memref<10240x16xf32, #tpu.memory_space<vmem_shared>>) dst(%dma_wait3A_95 : memref<128x16xf32, #tpu.memory_space<vmem>>)
      %iota3A = tpu.iota {dimensions = array<i32: 0>} : vector<16xi32>
      %parallel_loop3A = arith.constant 0 : i32
      %parallel_loop3A_102 = arith.constant 256 : i32
      %parallel_loop3A_103 = arith.constant 1 : i32
      scf.for %parallel_loop3A_109 = %parallel_loop3A to %parallel_loop3A_102 step %parallel_loop3A_103  : i32 {
        %parallel_loop3A_110 = arith.index_cast %parallel_loop3A_109 : i32 to index
        %parallel_loop3A_111 = arith.constant 0 : index
        %parallel_loop3A_112 = tpu.vector_load %arg8[%parallel_loop3A_110, %parallel_loop3A_111] {strides = array<i32>} : memref<256x16xf32, #tpu.memory_space<vmem>>, vector<16xf32>,
        %parallel_loop3A_113 = arith.index_cast %parallel_loop3A_109 : i32 to index
        %parallel_loop3A_114 = arith.constant 0 : index
        %parallel_loop3A_115 = tpu.vector_load %arg9[%parallel_loop3A_113, %parallel_loop3A_114] {strides = array<i32>} : memref<256x16xf32, #tpu.memory_space<vmem>>, vector<16xf32>,
        %parallel_loop3A_116 = arith.constant 0 : i32
        %parallel_loop3A_117 = vector.broadcast %parallel_loop3A_116 : i32 to vector<16xi32>
        %parallel_loop3A_118 = arith.muli %iota3A, %parallel_loop3A_117 : vector<16xi32>
        %parallel_loop3A_119 = arith.constant 2 : i32
        %parallel_loop3A_120 = vector.broadcast %parallel_loop3A_119 : i32 to vector<16xi32>
        %parallel_loop3A_121 = arith.addi %parallel_loop3A_118, %parallel_loop3A_120 : vector<16xi32>
        %parallel_loop3A_122 = vector.shape_cast %parallel_loop3A_121 : vector<16xi32> to vector<16x1xi32>
        %parallel_loop3A_123 = vector.shape_cast %parallel_loop3A_122 : vector<16x1xi32> to vector<16xi32>
        %parallel_loop3A_124 = tpu.dynamic_gather %parallel_loop3A_112[%parallel_loop3A_123] in [0] : vector<16xf32>, vector<16xi32> -> vector<16xf32>
        %parallel_loop3A_125 = arith.constant 0 : i32
        %parallel_loop3A_126 = vector.broadcast %parallel_loop3A_125 : i32 to vector<16xi32>
        %parallel_loop3A_127 = arith.muli %iota3A, %parallel_loop3A_126 : vector<16xi32>
        %parallel_loop3A_128 = arith.constant 8 : i32
        %parallel_loop3A_129 = vector.broadcast %parallel_loop3A_128 : i32 to vector<16xi32>
        %parallel_loop3A_130 = arith.addi %parallel_loop3A_127, %parallel_loop3A_129 : vector<16xi32>
        %parallel_loop3A_131 = vector.shape_cast %parallel_loop3A_130 : vector<16xi32> to vector<16x1xi32>
        %parallel_loop3A_132 = vector.shape_cast %parallel_loop3A_131 : vector<16x1xi32> to vector<16xi32>
        %parallel_loop3A_133 = tpu.dynamic_gather %parallel_loop3A_115[%parallel_loop3A_132] in [0] : vector<16xf32>, vector<16xi32> -> vector<16xf32>
        %parallel_loop3A_134 = arith.addf %parallel_loop3A_124, %parallel_loop3A_133 : vector<16xf32>
        %parallel_loop3A_135 = arith.constant 0.000000e+00 : f32
        %parallel_loop3A_136 = vector.broadcast %parallel_loop3A_135 : f32 to vector<16xf32>
        %parallel_loop3A_137 = arith.cmpf oge, %parallel_loop3A_134, %parallel_loop3A_136 : vector<16xf32>
        %parallel_loop3A_138 = arith.constant 2.000000e-01 : f32
        %parallel_loop3A_139 = vector.broadcast %parallel_loop3A_138 : f32 to vector<16xf32>
        %parallel_loop3A_140 = arith.mulf %parallel_loop3A_134, %parallel_loop3A_139 : vector<16xf32>
        %parallel_loop3A_141 = arith.select %parallel_loop3A_137, %parallel_loop3A_134, %parallel_loop3A_140 : vector<16xi1>, vector<16xf32>
        %parallel_loop3A_142 = math.exp %parallel_loop3A_141 : vector<16xf32>
        %parallel_loop3A_143 = arith.constant 2 : i32
        %parallel_loop3A_144 = vector.broadcast %parallel_loop3A_143 : i32 to vector<16xi32>
        %parallel_loop3A_145 = arith.cmpi eq, %iota3A, %parallel_loop3A_144 : vector<16xi32>
        %parallel_loop3A_146 = arith.constant 2 : i32
        %parallel_loop3A_147 = vector.broadcast %parallel_loop3A_146 : i32 to vector<16xi32>
        %parallel_loop3A_148 = arith.cmpi slt, %iota3A, %parallel_loop3A_147 : vector<16xi32>
        %parallel_loop3A_149 = arith.constant 0.000000e+00 : f32
        %parallel_loop3A_150 = vector.broadcast %parallel_loop3A_149 : f32 to vector<16xf32>
        %parallel_loop3A_151 = arith.select %parallel_loop3A_148, %parallel_loop3A_112, %parallel_loop3A_150 : vector<16xi1>, vector<16xf32>
        %parallel_loop3A_152 = arith.constant 1.000000e+00 : f32
        %parallel_loop3A_153 = vector.broadcast %parallel_loop3A_152 : f32 to vector<16xf32>
        %parallel_loop3A_154 = arith.select %parallel_loop3A_145, %parallel_loop3A_153, %parallel_loop3A_151 : vector<16xi1>, vector<16xf32>
        %parallel_loop3A_155 = arith.mulf %parallel_loop3A_142, %parallel_loop3A_154 : vector<16xf32>
        %parallel_loop3A_156 = arith.index_cast %parallel_loop3A_109 : i32 to index
        %parallel_loop3A_157 = arith.constant 0 : index
        %parallel_loop3A_158 = tpu.vector_load %arg10[%parallel_loop3A_156, %parallel_loop3A_157] {strides = array<i32>} : memref<256x16xf32, #tpu.memory_space<vmem>>, vector<16xf32>,
        tpu.vector_store %arg10[%parallel_loop3A_156, %parallel_loop3A_157], %parallel_loop3A_155 {strides = array<i32>} : memref<256x16xf32, #tpu.memory_space<vmem>>, vector<16xf32>,
      } {sc.loop_unroll_factor = 4 : i64, sc.parallel_access}
      %add3A_104 = arith.constant 0 : i32
      %add3A_105 = arith.addi %mul3A_27, %add3A_104 : i32
      "tpu.region"() ({
        %run_scoped3A = tpu.sem_alloc : memref<!tpu.dma_semaphore, #tpu.memory_space<semaphore_mem>>
        %dma_start3A_109 = arith.constant 0 : i32
        %dma_start3A_110 = arith.constant 0 : i32
        %dma_start3A_111 = tpu.memref_slice %arg10[%dma_start3A_109, %dma_start3A_110] : memref<256x16xf32, #tpu.memory_space<vmem>> -> memref<128x16xf32, #tpu.memory_space<vmem>>
        %dma_start3A_112 = arith.constant 0 : i32
        %dma_start3A_113 = tpu.memref_slice %arg7[%add3A_105, %dma_start3A_112] : memref<82x128xi32, #tpu.memory_space<vmem>> -> memref<1x128xi32, #tpu.memory_space<vmem>>
        %dma_start3A_114 = tpu.memref_squeeze %dma_start3A_113 : memref<1x128xi32, #tpu.memory_space<vmem>> -> memref<128xi32, #tpu.memory_space<vmem>>
        %dma_start3A_115 = arith.constant 0 : i32
        %dma_start3A_116 = arith.constant 0 : i32
        %dma_start3A_117 = tpu.memref_slice %arg11[%dma_start3A_115, %dma_start3A_116] : memref<10240x16xf32, #tpu.memory_space<vmem_shared>> -> memref<10240x16xf32, #tpu.memory_space<vmem_shared>>
        tpu.enqueue_indirect_dma source(%dma_start3A_111 : memref<128x16xf32, #tpu.memory_space<vmem>>) target(%dma_start3A_117 : memref<10240x16xf32, #tpu.memory_space<vmem_shared>>) offsets(%dma_start3A_114 : memref<128xi32, #tpu.memory_space<vmem>>) semaphore(%run_scoped3A : memref<!tpu.dma_semaphore, #tpu.memory_space<semaphore_mem>>) {add = true}
        %dma_wait3A_118 = arith.constant 0 : i32
        %dma_wait3A_119 = arith.constant 0 : i32
        %dma_wait3A_120 = tpu.memref_slice %arg10[%dma_wait3A_118, %dma_wait3A_119] : memref<256x16xf32, #tpu.memory_space<vmem>> -> memref<128x16xf32, #tpu.memory_space<vmem>>
        %dma_wait3A_121 = arith.constant 0 : i32
        %dma_wait3A_122 = tpu.memref_slice %arg7[%add3A_105, %dma_wait3A_121] : memref<82x128xi32, #tpu.memory_space<vmem>> -> memref<1x128xi32, #tpu.memory_space<vmem>>
        %dma_wait3A_123 = tpu.memref_squeeze %dma_wait3A_122 : memref<1x128xi32, #tpu.memory_space<vmem>> -> memref<128xi32, #tpu.memory_space<vmem>>
        %dma_wait3A_124 = arith.constant 0 : i32
        %dma_wait3A_125 = arith.constant 0 : i32
        %dma_wait3A_126 = tpu.memref_slice %arg11[%dma_wait3A_124, %dma_wait3A_125] : memref<10240x16xf32, #tpu.memory_space<vmem_shared>> -> memref<10240x16xf32, #tpu.memory_space<vmem_shared>>
        tpu.wait_indirect_dma semaphore(%run_scoped3A : memref<!tpu.dma_semaphore, #tpu.memory_space<semaphore_mem>>) src(%dma_wait3A_120 : memref<128x16xf32, #tpu.memory_space<vmem>>) dst(%dma_wait3A_126 : memref<10240x16xf32, #tpu.memory_space<vmem_shared>>)
        tpu.yield
      }) : () -> ()
      %add3A_106 = arith.constant 1 : i32
      %add3A_107 = arith.addi %mul3A_27, %add3A_106 : i32
      "tpu.region"() ({
        %run_scoped3A = tpu.sem_alloc : memref<!tpu.dma_semaphore, #tpu.memory_space<semaphore_mem>>
        %dma_start3A_109 = arith.constant 128 : i32
        %dma_start3A_110 = arith.constant 0 : i32
        %dma_start3A_111 = tpu.memref_slice %arg10[%dma_start3A_109, %dma_start3A_110] : memref<256x16xf32, #tpu.memory_space<vmem>> -> memref<128x16xf32, #tpu.memory_space<vmem>>
        %dma_start3A_112 = arith.constant 0 : i32
        %dma_start3A_113 = tpu.memref_slice %arg7[%add3A_107, %dma_start3A_112] : memref<82x128xi32, #tpu.memory_space<vmem>> -> memref<1x128xi32, #tpu.memory_space<vmem>>
        %dma_start3A_114 = tpu.memref_squeeze %dma_start3A_113 : memref<1x128xi32, #tpu.memory_space<vmem>> -> memref<128xi32, #tpu.memory_space<vmem>>
        %dma_start3A_115 = arith.constant 0 : i32
        %dma_start3A_116 = arith.constant 0 : i32
        %dma_start3A_117 = tpu.memref_slice %arg11[%dma_start3A_115, %dma_start3A_116] : memref<10240x16xf32, #tpu.memory_space<vmem_shared>> -> memref<10240x16xf32, #tpu.memory_space<vmem_shared>>
        tpu.enqueue_indirect_dma source(%dma_start3A_111 : memref<128x16xf32, #tpu.memory_space<vmem>>) target(%dma_start3A_117 : memref<10240x16xf32, #tpu.memory_space<vmem_shared>>) offsets(%dma_start3A_114 : memref<128xi32, #tpu.memory_space<vmem>>) semaphore(%run_scoped3A : memref<!tpu.dma_semaphore, #tpu.memory_space<semaphore_mem>>) {add = true}
        %dma_wait3A_118 = arith.constant 128 : i32
        %dma_wait3A_119 = arith.constant 0 : i32
        %dma_wait3A_120 = tpu.memref_slice %arg10[%dma_wait3A_118, %dma_wait3A_119] : memref<256x16xf32, #tpu.memory_space<vmem>> -> memref<128x16xf32, #tpu.memory_space<vmem>>
        %dma_wait3A_121 = arith.constant 0 : i32
        %dma_wait3A_122 = tpu.memref_slice %arg7[%add3A_107, %dma_wait3A_121] : memref<82x128xi32, #tpu.memory_space<vmem>> -> memref<1x128xi32, #tpu.memory_space<vmem>>
        %dma_wait3A_123 = tpu.memref_squeeze %dma_wait3A_122 : memref<1x128xi32, #tpu.memory_space<vmem>> -> memref<128xi32, #tpu.memory_space<vmem>>
        %dma_wait3A_124 = arith.constant 0 : i32
        %dma_wait3A_125 = arith.constant 0 : i32
        %dma_wait3A_126 = tpu.memref_slice %arg11[%dma_wait3A_124, %dma_wait3A_125] : memref<10240x16xf32, #tpu.memory_space<vmem_shared>> -> memref<10240x16xf32, #tpu.memory_space<vmem_shared>>
        tpu.wait_indirect_dma semaphore(%run_scoped3A : memref<!tpu.dma_semaphore, #tpu.memory_space<semaphore_mem>>) src(%dma_wait3A_120 : memref<128x16xf32, #tpu.memory_space<vmem>>) dst(%dma_wait3A_126 : memref<10240x16xf32, #tpu.memory_space<vmem_shared>>)
        tpu.yield
      }) : () -> ()
      %scan3A_108 = arith.constant 0 : i32
      scf.yield %scan3A_108 : i32
    }
    %scan3A_22 = arith.constant 41 : i32
    %barrier3A_23 = arith.constant 0 : index
    tpu.barrier barrier_id(%barrier3A_23)
    "tpu.region"() ({
      %run_scoped3A = tpu.sem_alloc : memref<!tpu.dma_semaphore, #tpu.memory_space<semaphore_mem>>
      %dma_start3A = arith.constant 0 : i32
      %dma_start3A_24 = tpu.memref_slice %arg5[%arg0, %mul3A_9, %dma_start3A] : memref<2x10240x16xf32, #tpu.memory_space<hbm>> -> memref<1x640x16xf32, #tpu.memory_space<hbm>>
      %dma_start3A_25 = tpu.memref_squeeze %dma_start3A_24 : memref<1x640x16xf32, #tpu.memory_space<hbm>> -> memref<640x16xf32, #tpu.memory_space<hbm>>
      %dma_start3A_26 = arith.constant 0 : i32
      %dma_start3A_27 = tpu.memref_slice %arg11[%mul3A_9, %dma_start3A_26] : memref<10240x16xf32, #tpu.memory_space<vmem_shared>> -> memref<640x16xf32, #tpu.memory_space<vmem_shared>>
      tpu.enqueue_dma source(%dma_start3A_27 : memref<640x16xf32, #tpu.memory_space<vmem_shared>>) target(%dma_start3A_25 : memref<640x16xf32, #tpu.memory_space<hbm>>) target_semaphore(%run_scoped3A : memref<!tpu.dma_semaphore, #tpu.memory_space<semaphore_mem>>)
      %dma_wait3A = arith.constant 0 : i32
      %dma_wait3A_28 = tpu.memref_slice %arg5[%arg0, %mul3A_9, %dma_wait3A] : memref<2x10240x16xf32, #tpu.memory_space<hbm>> -> memref<1x640x16xf32, #tpu.memory_space<hbm>>
      %dma_wait3A_29 = tpu.memref_squeeze %dma_wait3A_28 : memref<1x640x16xf32, #tpu.memory_space<hbm>> -> memref<640x16xf32, #tpu.memory_space<hbm>>
      %dma_wait3A_30 = arith.constant 0 : i32
      %dma_wait3A_31 = tpu.memref_slice %arg11[%mul3A_9, %dma_wait3A_30] : memref<10240x16xf32, #tpu.memory_space<vmem_shared>> -> memref<640x16xf32, #tpu.memory_space<vmem_shared>>
      tpu.wait_dma2 semaphore(%run_scoped3A : memref<!tpu.dma_semaphore, #tpu.memory_space<semaphore_mem>>) src(%dma_wait3A_31 : memref<640x16xf32, #tpu.memory_space<vmem_shared>>) dst(%dma_wait3A_29 : memref<640x16xf32, #tpu.memory_space<hbm>>)
      tpu.yield
    }) : () -> ()
    return
  }
}

module attributes {stable_mosaic.version = 14 : i64} {
  func.func @_prep_body(%arg0: i32, %arg1: memref<640x128xf32, #tpu.memory_space<vmem>>, %arg2: memref<128x64xf32, #tpu.memory_space<vmem>>, %arg3: memref<128x16xf32, #tpu.memory_space<vmem>>, %arg4: memref<640x64xbf16, #tpu.memory_space<vmem>>, %arg5: memref<640x16xf32, #tpu.memory_space<vmem>>) attributes {dimension_semantics = [#tpu.dimension_semantics<arbitrary>], iteration_bounds = array<i64: 16>, scalar_prefetch = 0 : i64, scratch_operands = 0 : i64, tpu.core_type = #tpu.core_type<tc>, window_params = [{transform_indices = @transform_0, window_bounds = array<i64: 640, 128>}, {pipeline_mode = #tpu.pipeline_mode<synchronous>, transform_indices = @transform_1, window_bounds = array<i64: 128, 64>}, {pipeline_mode = #tpu.pipeline_mode<synchronous>, transform_indices = @transform_2, window_bounds = array<i64: 128, 16>}, {transform_indices = @transform_3, window_bounds = array<i64: 640, 64>}, {transform_indices = @transform_4, window_bounds = array<i64: 640, 16>}]} {
    %get3A = arith.constant 0 : index
    %get3A_0 = arith.constant 0 : index
    %get3A_1 = vector.load %arg1[%get3A, %get3A_0] : memref<640x128xf32, #tpu.memory_space<vmem>>, vector<640x128xf32>
    %get3A_2 = arith.constant 0 : index
    %get3A_3 = arith.constant 0 : index
    %get3A_4 = vector.load %arg2[%get3A_2, %get3A_3] : memref<128x64xf32, #tpu.memory_space<vmem>>, vector<128x64xf32>
    %dot_general3A = arith.constant dense<0.000000e+00> : vector<640x64xf32>
    %dot_general3A_5 = tpu.matmul %get3A_1, %get3A_4, %dot_general3A {dimension_numbers = #tpu.dot_dimension_numbers<[1], [0], [0], [1], [0, 0, 1, 1], [], []>, transpose_lhs_hint = false} : vector<640x128xf32>, vector<128x64xf32>, vector<640x64xf32> -> vector<640x64xf32>
    %convert_element_type3A = arith.truncf %dot_general3A_5 : vector<640x64xf32> to vector<640x64xbf16>
    %swap3A = arith.constant 0 : index
    %swap3A_6 = arith.constant 0 : index
    %swap3A_7 = vector.load %arg4[%swap3A, %swap3A_6] : memref<640x64xbf16, #tpu.memory_space<vmem>>, vector<640x64xbf16>
    tpu.vector_store %arg4[%swap3A, %swap3A_6], %convert_element_type3A {strides = array<i32>} : memref<640x64xbf16, #tpu.memory_space<vmem>>, vector<640x64xbf16>,
    %get3A_8 = arith.constant 0 : index
    %get3A_9 = arith.constant 0 : index
    %get3A_10 = vector.load %arg3[%get3A_8, %get3A_9] : memref<128x16xf32, #tpu.memory_space<vmem>>, vector<128x16xf32>
    %dot_general3A_11 = arith.constant dense<0.000000e+00> : vector<640x16xf32>
    %dot_general3A_12 = tpu.matmul %get3A_1, %get3A_10, %dot_general3A_11 {dimension_numbers = #tpu.dot_dimension_numbers<[1], [0], [0], [1], [0, 0, 1, 1], [], []>, transpose_lhs_hint = false} : vector<640x128xf32>, vector<128x16xf32>, vector<640x16xf32> -> vector<640x16xf32>
    %swap3A_13 = arith.constant 0 : index
    %swap3A_14 = arith.constant 0 : index
    %swap3A_15 = vector.load %arg5[%swap3A_13, %swap3A_14] : memref<640x16xf32, #tpu.memory_space<vmem>>, vector<640x16xf32>
    tpu.vector_store %arg5[%swap3A_13, %swap3A_14], %dot_general3A_12 {strides = array<i32>} : memref<640x16xf32, #tpu.memory_space<vmem>>, vector<640x16xf32>,
    return
  }
  func.func @transform_0(%arg0: i32) -> (i32, i32) {
    %c0_i32 = arith.constant 0 : i32
    %c0_i32_0 = arith.constant 0 : i32
    return %arg0, %c0_i32 : i32, i32
  }
  func.func @transform_1(%arg0: i32) -> (i32, i32) {
    %c0_i32 = arith.constant 0 : i32
    %c0_i32_0 = arith.constant 0 : i32
    %c0_i32_1 = arith.constant 0 : i32
    return %c0_i32, %c0_i32_0 : i32, i32
  }
  func.func @transform_2(%arg0: i32) -> (i32, i32) {
    %c0_i32 = arith.constant 0 : i32
    %c0_i32_0 = arith.constant 0 : i32
    %c0_i32_1 = arith.constant 0 : i32
    return %c0_i32, %c0_i32_0 : i32, i32
  }
  func.func @transform_3(%arg0: i32) -> (i32, i32) {
    %c0_i32 = arith.constant 0 : i32
    %c0_i32_0 = arith.constant 0 : i32
    return %arg0, %c0_i32 : i32, i32
  }
  func.func @transform_4(%arg0: i32) -> (i32, i32) {
    %c0_i32 = arith.constant 0 : i32
    %c0_i32_0 = arith.constant 0 : i32
    return %arg0, %c0_i32 : i32, i32
  }
}

module attributes {stable_mosaic.version = 14 : i64} {
  func.func @_mid_body(%arg0: i32, %arg1: memref<2x640x72xf32, #tpu.memory_space<vmem>>, %arg2: memref<72x64xf32, #tpu.memory_space<vmem>>, %arg3: memref<72x8xf32, #tpu.memory_space<vmem>>, %arg4: memref<8x64xf32, #tpu.memory_space<vmem>>, %arg5: memref<64x16xf32, #tpu.memory_space<vmem>>, %arg6: memref<1x64xf32, #tpu.memory_space<vmem>>, %arg7: memref<640x16xf32, #tpu.memory_space<vmem>>) attributes {dimension_semantics = [#tpu.dimension_semantics<arbitrary>], iteration_bounds = array<i64: 16>, scalar_prefetch = 0 : i64, scratch_operands = 0 : i64, tpu.core_type = #tpu.core_type<tc>, window_params = [{transform_indices = @transform_0, window_bounds = array<i64: 2, 640, 72>}, {pipeline_mode = #tpu.pipeline_mode<synchronous>, transform_indices = @transform_1, window_bounds = array<i64: 72, 64>}, {pipeline_mode = #tpu.pipeline_mode<synchronous>, transform_indices = @transform_2, window_bounds = array<i64: 72, 8>}, {pipeline_mode = #tpu.pipeline_mode<synchronous>, transform_indices = @transform_3, window_bounds = array<i64: 8, 64>}, {pipeline_mode = #tpu.pipeline_mode<synchronous>, transform_indices = @transform_4, window_bounds = array<i64: 64, 16>}, {pipeline_mode = #tpu.pipeline_mode<synchronous>, transform_indices = @transform_5, window_bounds = array<i64: 1, 64>}, {transform_indices = @transform_6, window_bounds = array<i64: 640, 16>}]} {
    %get3A = arith.constant 0 : index
    %get3A_0 = arith.constant 0 : index
    %get3A_1 = arith.constant 0 : index
    %get3A_2 = vector.load %arg1[%get3A, %get3A_0, %get3A_1] : memref<2x640x72xf32, #tpu.memory_space<vmem>>, vector<1x640x72xf32>
    %get3A_3 = vector.shape_cast %get3A_2 : vector<1x640x72xf32> to vector<640x72xf32>
    %get3A_4 = arith.constant 1 : index
    %get3A_5 = arith.constant 0 : index
    %get3A_6 = arith.constant 0 : index
    %get3A_7 = vector.load %arg1[%get3A_4, %get3A_5, %get3A_6] : memref<2x640x72xf32, #tpu.memory_space<vmem>>, vector<1x640x72xf32>
    %get3A_8 = vector.shape_cast %get3A_7 : vector<1x640x72xf32> to vector<640x72xf32>
    %add3A = arith.addf %get3A_3, %get3A_8 : vector<640x72xf32>
    %get3A_9 = arith.constant 0 : index
    %get3A_10 = arith.constant 0 : index
    %get3A_11 = vector.load %arg2[%get3A_9, %get3A_10] : memref<72x64xf32, #tpu.memory_space<vmem>>, vector<72x64xf32>
    %dot_general3A = arith.constant dense<0.000000e+00> : vector<640x64xf32>
    %dot_general3A_12 = tpu.matmul %add3A, %get3A_11, %dot_general3A {dimension_numbers = #tpu.dot_dimension_numbers<[1], [0], [0], [1], [0, 0, 1, 1], [], []>, transpose_lhs_hint = false} : vector<640x72xf32>, vector<72x64xf32>, vector<640x64xf32> -> vector<640x64xf32>
    %get3A_13 = arith.constant 0 : index
    %get3A_14 = arith.constant 0 : index
    %get3A_15 = vector.load %arg3[%get3A_13, %get3A_14] : memref<72x8xf32, #tpu.memory_space<vmem>>, vector<72x8xf32>
    %dot_general3A_16 = arith.constant dense<0.000000e+00> : vector<640x8xf32>
    %dot_general3A_17 = tpu.matmul %add3A, %get3A_15, %dot_general3A_16 {dimension_numbers = #tpu.dot_dimension_numbers<[1], [0], [0], [1], [0, 0, 1, 1], [], []>, transpose_lhs_hint = false} : vector<640x72xf32>, vector<72x8xf32>, vector<640x8xf32> -> vector<640x8xf32>
    %get3A_18 = arith.constant 0 : index
    %get3A_19 = arith.constant 0 : index
    %get3A_20 = vector.load %arg4[%get3A_18, %get3A_19] : memref<8x64xf32, #tpu.memory_space<vmem>>, vector<8x64xf32>
    %dot_general3A_21 = arith.constant dense<0.000000e+00> : vector<640x64xf32>
    %dot_general3A_22 = tpu.matmul %dot_general3A_17, %get3A_20, %dot_general3A_21 {dimension_numbers = #tpu.dot_dimension_numbers<[1], [0], [0], [1], [0, 0, 1, 1], [], []>, transpose_lhs_hint = false} : vector<640x8xf32>, vector<8x64xf32>, vector<640x64xf32> -> vector<640x64xf32>
    %add3A_23 = arith.constant 1.000000e-16 : f32
    %add3A_24 = vector.broadcast %add3A_23 : f32 to vector<640x64xf32>
    %add3A_25 = arith.addf %dot_general3A_22, %add3A_24 : vector<640x64xf32>
    %div3A = arith.divf %dot_general3A_12, %add3A_25 : vector<640x64xf32>
    %get3A_26 = arith.constant 0 : index
    %get3A_27 = arith.constant 0 : index
    %get3A_28 = vector.load %arg6[%get3A_26, %get3A_27] : memref<1x64xf32, #tpu.memory_space<vmem>>, vector<1x64xf32>
    %add3A_29 = vector.broadcast %get3A_28 : vector<1x64xf32> to vector<640x64xf32>
    %add3A_30 = arith.addf %div3A, %add3A_29 : vector<640x64xf32>
    %gt3A = arith.constant 0.000000e+00 : f32
    %gt3A_31 = vector.broadcast %gt3A : f32 to vector<640x64xf32>
    %gt3A_32 = arith.cmpf ogt, %add3A_30, %gt3A_31 : vector<640x64xf32>
    %exp3A = math.exp %add3A_30 : vector<640x64xf32>
    %sub3A = arith.constant 1.000000e+00 : f32
    %sub3A_33 = vector.broadcast %sub3A : f32 to vector<640x64xf32>
    %sub3A_34 = arith.subf %exp3A, %sub3A_33 : vector<640x64xf32>
    %select_n3A = arith.select %gt3A_32, %add3A_30, %sub3A_34 : vector<640x64xi1>, vector<640x64xf32>
    %get3A_35 = arith.constant 0 : index
    %get3A_36 = arith.constant 0 : index
    %get3A_37 = vector.load %arg5[%get3A_35, %get3A_36] : memref<64x16xf32, #tpu.memory_space<vmem>>, vector<64x16xf32>
    %dot_general3A_38 = arith.constant dense<0.000000e+00> : vector<640x16xf32>
    %dot_general3A_39 = tpu.matmul %select_n3A, %get3A_37, %dot_general3A_38 {dimension_numbers = #tpu.dot_dimension_numbers<[1], [0], [0], [1], [0, 0, 1, 1], [], []>, transpose_lhs_hint = false} : vector<640x64xf32>, vector<64x16xf32>, vector<640x16xf32> -> vector<640x16xf32>
    %swap3A = arith.constant 0 : index
    %swap3A_40 = arith.constant 0 : index
    %swap3A_41 = vector.load %arg7[%swap3A, %swap3A_40] : memref<640x16xf32, #tpu.memory_space<vmem>>, vector<640x16xf32>
    tpu.vector_store %arg7[%swap3A, %swap3A_40], %dot_general3A_39 {strides = array<i32>} : memref<640x16xf32, #tpu.memory_space<vmem>>, vector<640x16xf32>,
    return
  }
  func.func @transform_0(%arg0: i32) -> (i32, i32, i32) {
    %c0_i32 = arith.constant 0 : i32
    %c0_i32_0 = arith.constant 0 : i32
    %c0_i32_1 = arith.constant 0 : i32
    return %c0_i32, %arg0, %c0_i32_0 : i32, i32, i32
  }
  func.func @transform_1(%arg0: i32) -> (i32, i32) {
    %c0_i32 = arith.constant 0 : i32
    %c0_i32_0 = arith.constant 0 : i32
    %c0_i32_1 = arith.constant 0 : i32
    return %c0_i32, %c0_i32_0 : i32, i32
  }
  func.func @transform_2(%arg0: i32) -> (i32, i32) {
    %c0_i32 = arith.constant 0 : i32
    %c0_i32_0 = arith.constant 0 : i32
    %c0_i32_1 = arith.constant 0 : i32
    return %c0_i32, %c0_i32_0 : i32, i32
  }
  func.func @transform_3(%arg0: i32) -> (i32, i32) {
    %c0_i32 = arith.constant 0 : i32
    %c0_i32_0 = arith.constant 0 : i32
    %c0_i32_1 = arith.constant 0 : i32
    return %c0_i32, %c0_i32_0 : i32, i32
  }
  func.func @transform_4(%arg0: i32) -> (i32, i32) {
    %c0_i32 = arith.constant 0 : i32
    %c0_i32_0 = arith.constant 0 : i32
    %c0_i32_1 = arith.constant 0 : i32
    return %c0_i32, %c0_i32_0 : i32, i32
  }
  func.func @transform_5(%arg0: i32) -> (i32, i32) {
    %c0_i32 = arith.constant 0 : i32
    %c0_i32_0 = arith.constant 0 : i32
    %c0_i32_1 = arith.constant 0 : i32
    return %c0_i32, %c0_i32_0 : i32, i32
  }
  func.func @transform_6(%arg0: i32) -> (i32, i32) {
    %c0_i32 = arith.constant 0 : i32
    %c0_i32_0 = arith.constant 0 : i32
    return %arg0, %c0_i32 : i32, i32
  }
}

module attributes {stable_mosaic.version = 14 : i64} {
  func.func @_fin_body(%arg0: i32, %arg1: memref<2x640x16xf32, #tpu.memory_space<vmem>>, %arg2: memref<16x128xf32, #tpu.memory_space<vmem>>, %arg3: memref<16x128xf32, #tpu.memory_space<vmem>>, %arg4: memref<1x128xf32, #tpu.memory_space<vmem>>, %arg5: memref<640x128xf32, #tpu.memory_space<vmem>>) attributes {dimension_semantics = [#tpu.dimension_semantics<arbitrary>], iteration_bounds = array<i64: 16>, scalar_prefetch = 0 : i64, scratch_operands = 0 : i64, tpu.core_type = #tpu.core_type<tc>, window_params = [{transform_indices = @transform_0, window_bounds = array<i64: 2, 640, 16>}, {pipeline_mode = #tpu.pipeline_mode<synchronous>, transform_indices = @transform_1, window_bounds = array<i64: 16, 128>}, {pipeline_mode = #tpu.pipeline_mode<synchronous>, transform_indices = @transform_2, window_bounds = array<i64: 16, 128>}, {pipeline_mode = #tpu.pipeline_mode<synchronous>, transform_indices = @transform_3, window_bounds = array<i64: 1, 128>}, {transform_indices = @transform_4, window_bounds = array<i64: 640, 128>}]} {
    %get3A = arith.constant 0 : index
    %get3A_0 = arith.constant 0 : index
    %get3A_1 = arith.constant 0 : index
    %get3A_2 = vector.load %arg1[%get3A, %get3A_0, %get3A_1] : memref<2x640x16xf32, #tpu.memory_space<vmem>>, vector<1x640x16xf32>
    %get3A_3 = vector.shape_cast %get3A_2 : vector<1x640x16xf32> to vector<640x16xf32>
    %get3A_4 = arith.constant 1 : index
    %get3A_5 = arith.constant 0 : index
    %get3A_6 = arith.constant 0 : index
    %get3A_7 = vector.load %arg1[%get3A_4, %get3A_5, %get3A_6] : memref<2x640x16xf32, #tpu.memory_space<vmem>>, vector<1x640x16xf32>
    %get3A_8 = vector.shape_cast %get3A_7 : vector<1x640x16xf32> to vector<640x16xf32>
    %add3A = arith.addf %get3A_3, %get3A_8 : vector<640x16xf32>
    %get3A_9 = arith.constant 0 : index
    %get3A_10 = arith.constant 0 : index
    %get3A_11 = vector.load %arg2[%get3A_9, %get3A_10] : memref<16x128xf32, #tpu.memory_space<vmem>>, vector<16x128xf32>
    %dot_general3A = arith.constant dense<0.000000e+00> : vector<640x128xf32>
    %dot_general3A_12 = tpu.matmul %add3A, %get3A_11, %dot_general3A {dimension_numbers = #tpu.dot_dimension_numbers<[1], [0], [0], [1], [0, 0, 1, 1], [], []>, transpose_lhs_hint = false} : vector<640x16xf32>, vector<16x128xf32>, vector<640x128xf32> -> vector<640x128xf32>
    %get3A_13 = arith.constant 0 : index
    %get3A_14 = arith.constant 0 : index
    %get3A_15 = vector.load %arg3[%get3A_13, %get3A_14] : memref<16x128xf32, #tpu.memory_space<vmem>>, vector<16x128xf32>
    %dot_general3A_16 = arith.constant dense<0.000000e+00> : vector<640x128xf32>
    %dot_general3A_17 = tpu.matmul %add3A, %get3A_15, %dot_general3A_16 {dimension_numbers = #tpu.dot_dimension_numbers<[1], [0], [0], [1], [0, 0, 1, 1], [], []>, transpose_lhs_hint = false} : vector<640x16xf32>, vector<16x128xf32>, vector<640x128xf32> -> vector<640x128xf32>
    %add3A_18 = arith.constant 1.000000e-16 : f32
    %add3A_19 = vector.broadcast %add3A_18 : f32 to vector<640x128xf32>
    %add3A_20 = arith.addf %dot_general3A_17, %add3A_19 : vector<640x128xf32>
    %div3A = arith.divf %dot_general3A_12, %add3A_20 : vector<640x128xf32>
    %get3A_21 = arith.constant 0 : index
    %get3A_22 = arith.constant 0 : index
    %get3A_23 = vector.load %arg4[%get3A_21, %get3A_22] : memref<1x128xf32, #tpu.memory_space<vmem>>, vector<1x128xf32>
    %add3A_24 = vector.broadcast %get3A_23 : vector<1x128xf32> to vector<640x128xf32>
    %add3A_25 = arith.addf %div3A, %add3A_24 : vector<640x128xf32>
    %swap3A = arith.constant 0 : index
    %swap3A_26 = arith.constant 0 : index
    %swap3A_27 = vector.load %arg5[%swap3A, %swap3A_26] : memref<640x128xf32, #tpu.memory_space<vmem>>, vector<640x128xf32>
    tpu.vector_store %arg5[%swap3A, %swap3A_26], %add3A_25 {strides = array<i32>} : memref<640x128xf32, #tpu.memory_space<vmem>>, vector<640x128xf32>,
    return
  }
  func.func @transform_0(%arg0: i32) -> (i32, i32, i32) {
    %c0_i32 = arith.constant 0 : i32
    %c0_i32_0 = arith.constant 0 : i32
    %c0_i32_1 = arith.constant 0 : i32
    return %c0_i32, %arg0, %c0_i32_0 : i32, i32, i32
  }
  func.func @transform_1(%arg0: i32) -> (i32, i32) {
    %c0_i32 = arith.constant 0 : i32
    %c0_i32_0 = arith.constant 0 : i32
    %c0_i32_1 = arith.constant 0 : i32
    return %c0_i32, %c0_i32_0 : i32, i32
  }
  func.func @transform_2(%arg0: i32) -> (i32, i32) {
    %c0_i32 = arith.constant 0 : i32
    %c0_i32_0 = arith.constant 0 : i32
    %c0_i32_1 = arith.constant 0 : i32
    return %c0_i32, %c0_i32_0 : i32, i32
  }
  func.func @transform_3(%arg0: i32) -> (i32, i32) {
    %c0_i32 = arith.constant 0 : i32
    %c0_i32_0 = arith.constant 0 : i32
    %c0_i32_1 = arith.constant 0 : i32
    return %c0_i32, %c0_i32_0 : i32, i32
  }
  func.func @transform_4(%arg0: i32) -> (i32, i32) {
    %c0_i32 = arith.constant 0 : i32
    %c0_i32_0 = arith.constant 0 : i32
    return %arg0, %c0_i32 : i32, i32
  }
}

</mosaic_0001>

<sc_bundles>
// kernel: kernel.10.cloned.1.call-start
scs
__scs_entry_jumppad:
0x0: {  	(pc) =	sbr.rel $0x88, $3  }
0x1: {  	(tag) =	ssettag $0x0;
	lr =	simm.s32 $0x1  }
0x2: {  	[smem:$0x3F97] =	sst lr;
	_ =	strace $0xD0000000  }
0x3: {  	_ = 	snop  }
0x4: {  	_ = 	snop  }
0x5: {  	_ = 	snop  }
0x6: {  	_ = 	snop  }
0x7: {  	_ = 	snop  }
__scs_overlays_trampoline_lowered:
0x8: {  	[smem:$0x3FA6] =	sst s0  }
0x9: {  	[smem:$0x3FA7] =	sst s1  }
0xa: {  	[smem:$0x3FA8] =	sst s2  }
0xb: {  	[smem:$0x3FA9] =	sst s3  }
0xc: {  	[smem:$0x3FAA] =	sst s4  }
0xd: {  	[smem:$0x3FAB] =	sst s5  }
0xe: {  	[smem:$0x3FAC] =	sst s6  }
0xf: {  	[smem:$0x3FAD] =	sst s7  }
0x10: {  	[smem:$0x3FAE] =	sst s8  }
0x11: {  	[smem:$0x3FAF] =	sst s9;
	s0 =	simm.s32 @!p0 $0x0  }
0x12: {  	s1 =	sld [smem:$0x3F95];
	s0 =	simm.s32 @p0 $0x1  }
0x13: {  	[smem:$0x3FB0] =	sst s0;
	s0 =	simm.s32 @!p1 $0x0  }
0x14: {  	s2 =	sld [smem:$0x3F94];
	s0 =	simm.s32 @p1 $0x1  }
0x15: {  	[smem:$0x3FB1] =	sst s0;
	s0 =	simm.s32 @!p2 $0x0  }
0x16: {  	s3 =	sld [smem:$0x3FDB];
	s0 =	simm.s32 @p2 $0x1  }
0x17: {  	s4 =	simm.s32 $0x1BF5;
	[smem:$0x3FB3] =	sst s0  }
0x18: {  	s0 =	sld [smem:$0x3F96];
	_ =	swait.ge [sflag:s4], $0x0  }
0x19: {  	s7 =	sld [smem:$0x3F97]  }
0x1a: {  	s8 =	sadd.s32 $0xFFFFE003, lr  }
0x1b: {  	s9 =	sadd.s32 $0xFFFFFEF7, lr;
	s5 =	simm.s32 $0xFFFFFFFF;
	p2 =	slt.u32 s8, $0xFFFFF086  }
0x1c: {  	p1 =	slt.u32 s9, $0xF7A;
	s5 =	simm.s32 @!p2 $0x0  }
0x1d: {  	s5 =	simm.s32 @p1 $0x1;
	p0 =	seq.s32 s7, s2  }
0x1e: {  	s7 =	smul.u32 @!p0 $0xF7A, s2;
	p2 =	seq.s32 @!p0 s5, $0x0  }
0x1f: {  	s9 =	smul.u32 $0xF7A, s1;
	s8 =	simm.s32 @!p0 $0x1BF5;
	p2 =	por !p2, p0  }
0x20: {  	[sflag:s8] =	ssyncset.s32 @!p0 $0xFFFFF086;
	s6 =	sadd.s32 @!p0 s3, s7;
	s7 =	simm.s32 @!p0 $0x108  }
0x21: {  	s3 =	sadd.s32 s3, s9;
	s6 =	sadd.s32 @!p0 $0x88, s6;
	s7 =	simm.s32 @p2 $0x1082  }
0x22: {  	[simem:s7], [sflag:s8] =	dma.local @!p0 [hbm:s6], $0xF7A  }
0x23: {  	s9 =	sor.u32 $0xD0000000, s2;
	s6 =	simm.s32 $0x108;
	_ =	swait.ge @!p0 [sflag:s8], $0x0  }
0x24: {  	s3 =	sadd.s32 $0x88, s3;
	s6 =	simm.s32 @!p1 $0x1082;
	[sflag:s4] =	ssyncset.s32 $0xFFFFF086  }
0x25: {  	[simem:s6], [sflag:s4] =	dma.local [hbm:s3], $0xF7A  }
0x26: {  	[smem:$0x3F97] =	sst s1;
	(tag) =	ssettag s2;
	_ =	strace s9  }
0x27: {  	s1 =	sld [smem:$0x3FA7]  }
0x28: {  	s2 =	sld [smem:$0x3FA8]  }
0x29: {  	s4 =	sld [smem:$0x3FAA]  }
0x2a: {  	p0 =	seq.s32 s5, $0x0;
	s5 =	sld [smem:$0x3FAB]  }
0x2b: {  	s6 =	sld [smem:$0x3FAC]  }
0x2c: {  	s7 =	sld [smem:$0x3FAD]  }
0x2d: {  	s3 =	simm.s32 $0x108;
	s8 =	sld [smem:$0x3FAE]  }
0x2e: {  	s3 =	simm.s32 @!p0 $0x1082;
	s9 =	sld [smem:$0x3FAF]  }
0x2f: {  	lr =	sadd.s32 s0, s3;
	s0 =	sld [smem:$0x3FA6]  }
0x30: {  	s3 =	sld [smem:$0x3FA9]  }
0x31: {  	[smem:$0x3FB2] =	sst s10  }
0x32: {  	s10 =	sld [smem:$0x3FB0];
	_ =	sdelay $0x3  }
0x33: {  	p0 =	seq.s32 s10, $0x1;
	s10 =	sld [smem:$0x3FB2];
	_ =	sdelay $0x3  }
0x34: {  	[smem:$0x3FB2] =	sst s10  }
0x35: {  	s10 =	sld [smem:$0x3FB1];
	_ =	sdelay $0x3  }
0x36: {  	p1 =	seq.s32 s10, $0x1;
	s10 =	sld [smem:$0x3FB2];
	_ =	sdelay $0x3  }
0x37: {  	[smem:$0x3FB2] =	sst s10  }
0x38: {  	s10 =	sld [smem:$0x3FB3]  }
0x39: {  	_ = 	snop;
	(pc) =	sbr.ind lr, $3  }
0x3a: {  	_ = 	snop  }
0x3b: {  	_ = 	snop  }
0x3c: {  	p2 =	seq.s32 s10, $0x1;
	s10 =	sld [smem:$0x3FB2]  }
0x3d: {  	_ =	shalt  }
0x3e: {  	_ =	shalt  }
0x3f: {  	_ =	shalt  }
0x40: {  	_ =	shalt  }
0x41: {  	_ =	shalt  }
0x42: {  	_ =	shalt  }
0x43: {  	_ =	shalt  }
0x44: {  	_ =	shalt  }
0x45: {  	_ =	shalt  }
0x46: {  	_ =	shalt  }
0x47: {  	_ =	shalt  }
0x48: {  	_ =	shalt  }
0x49: {  	_ =	shalt  }
0x4a: {  	_ =	shalt  }
0x4b: {  	_ =	shalt  }
0x4c: {  	_ =	shalt  }
0x4d: {  	_ =	shalt  }
0x4e: {  	_ =	shalt  }
0x4f: {  	_ =	shalt  }
0x50: {  	_ =	shalt  }
0x51: {  	_ =	shalt  }
0x52: {  	_ =	shalt  }
0x53: {  	_ =	shalt  }
0x54: {  	_ =	shalt  }
0x55: {  	_ =	shalt  }
0x56: {  	_ =	shalt  }
0x57: {  	_ =	shalt  }
0x58: {  	_ =	shalt  }
0x59: {  	_ =	shalt  }
0x5a: {  	_ =	shalt  }
0x5b: {  	_ =	shalt  }
0x5c: {  	_ =	shalt  }
0x5d: {  	_ =	shalt  }
0x5e: {  	_ =	shalt  }
0x5f: {  	_ =	shalt  }
0x60: {  	_ =	shalt  }
0x61: {  	_ =	shalt  }
0x62: {  	_ =	shalt  }
0x63: {  	_ =	shalt  }
0x64: {  	_ =	shalt  }
0x65: {  	_ =	shalt  }
0x66: {  	_ =	shalt  }
0x67: {  	_ =	shalt  }
0x68: {  	_ =	shalt  }
0x69: {  	_ =	shalt  }
0x6a: {  	_ =	shalt  }
0x6b: {  	_ =	shalt  }
0x6c: {  	_ =	shalt  }
0x6d: {  	_ =	shalt  }
0x6e: {  	_ =	shalt  }
0x6f: {  	_ =	shalt  }
0x70: {  	_ =	shalt  }
0x71: {  	_ =	shalt  }
0x72: {  	_ =	shalt  }
0x73: {  	_ =	shalt  }
0x74: {  	_ =	shalt  }
0x75: {  	_ =	shalt  }
0x76: {  	_ =	shalt  }
0x77: {  	_ =	shalt  }
0x78: {  	_ =	shalt  }
0x79: {  	_ =	shalt  }
0x7a: {  	_ =	shalt  }
0x7b: {  	_ =	shalt  }
0x7c: {  	_ =	shalt  }
0x7d: {  	_ =	shalt  }
0x7e: {  	_ =	shalt  }
0x7f: {  	_ =	shalt  }
0x80: {  	_ =	shalt  }
0x81: {  	_ =	shalt  }
0x82: {  	_ =	shalt  }
0x83: {  	_ =	shalt  }
0x84: {  	_ =	shalt  }
0x85: {  	_ =	shalt  }
0x86: {  	_ =	shalt  }
0x87: {  	_ =	shalt  }
.Lfunc_end0:
.L_simem_size_0:
called_computation.1_lowered:
.L_overlay_start_0:
0x88: {  	s2 =	sld [smem:$0x3FD9]  }
0x89: {  	s3 =	sld [smem:$0x3FFE];
	_ =	sdelay $0x1  }
0x8a: {  	s1 =	srdreg.scid  }
0x8b: {  	s0 =	sand.u32 $0x1, s1  }
0x8c: {  	s16 =	sshll.u32 s0, $0xA;
	s2 =	sadd.s32 s3, s2  }
0x8d: {  	s2 =	sadd.s32 s2, s16  }
0x8e: {  	[smem:$0x3FBE] =	sst s2  }
0x8f: {  	_ = 	snop  }
0x90: {  	(tm) =	ssettm $0x1  }
0x91: {  	s17 =	sld [smem:$0x3FFB];
	_ =	sdelay $0x3  }
0x92: {  	_ =	strace s17  }
0x93: {  	s2 =	sld [smem:$0x3FFC];
	_ =	sdelay $0x3  }
0x94: {  	_ =	strace s2  }
0x95: {  	s2 =	sld [smem:$0x3FFD];
	_ =	sdelay $0x3  }
0x96: {  	_ =	strace s2  }
0x97: {  	_ =	strace $0x8FFFFFFF  }
0x98: {  	s18 =	sld [smem:$0x3FDB];
	_ =	sdelay $0x1  }
0x99: {  	s19 =	simm.s32 $_scs_section_size  }
0x9a: {  	s4 =	simm.s32 $_size__tile_overlayer_lowered;
	s5 =	simm.s32 $_tile_overlayer_lowered  }
0x9b: {  	s22 =	simm.s32 $0x1BFF;
	s21 =	sshll.u32 s5, $0x1;
	s2 =	sadd.s32 s19, s18  }
0x9c: {  	s6 =	simm.s32 $0x0;
	s20 =	sshll.u32 s4, $0x1;
	s4 =	sadd.s32 s21, s2  }
0x9d: {  	[timem:s6], [sflag:s22] =	dma.local [hbm:s4], s20  }
0x9e: {  	_ =	swait.ge [sflag:s22], s20  }
0x9f: {  	s3 =	ssub.s32 $0x0, s20;
	[sflag:s22] =	ssyncset.done $0x0  }
0xa0: {  	[sflag:s22] =	ssyncadd.s32 s3;
	_ =	sdelay $0x1  }
0xa1: {  	s23 =	simm.s32 $0x1B8B  }
0xa2: {  	_ =	swait.ge [sflag:s23], $0x1  }
0xa3: {  	[sflag:s23] =	ssyncset.done $0x0  }
0xa4: {  	s25 =	simm.s32 $0x1B8E;
	s24 =	sld [smem:$0x3FFE];
	[sflag:s23] =	ssyncadd.s32 $0xFFFFFFFF  }
0xa5: {  	s26 =	simm.s32 $execute0_lowered;
	[smem:$0x3FD2] =	sst s25  }
0xa6: {  	s4 =	sshll.u32 s26, $0x1;
	_ =	strace $0x80000049;
	[dreg:$0x1] =	wrdreg $0xFFFFFFFF  }
0xa7: {  	s28 =	simm.s32 $_size_execute0_lowered;
	s2 =	sadd.s32 s2, s4;
	[dreg:$0x0] =	wrdreg $0x0  }
0xa8: {  	s4 =	sshll.u32 s28, $0x1;
	[dreg:$0x2] =	wrdreg s2  }
0xa9: {  	[dreg:$0x3] =	wrdreg s4  }
0xaa: {  	[dreg:$0x4] =	wrdreg $0xC0  }
0xab: {  	_ =	task [dreg:s6], $0x5FFFF  }
0xac: {  	[dreg:$0x1] =	wrdreg $0xFFFFFFFF  }
0xad: {  	[dreg:$0x0] =	wrdreg $0x60  }
0xae: {  	[dreg:$0x2] =	wrdreg s24  }
0xaf: {  	[dreg:$0x3] =	wrdreg $0x82000  }
0xb0: {  	[dreg:$0x4] =	wrdreg $0xAA000  }
0xb1: {  	[dreg:$0x5] =	wrdreg $0x9  }
0xb2: {  	_ =	task.clear_ibuf [dreg:s6], $0x6FFFF;
	_ =	strace $0x90000049  }
0xb3: {  	s29 =	simm.s32 $0x9;
	_ =	strace $0x8000004B  }
0xb4: {  	_ =	swait.ge [sflag:s29], $0x1  }
0xb5: {  	[sflag:s29] =	ssyncadd.s32 $0xFFFFFFFF  }
0xb6: {  	_ =	strace $0x9000004B  }
0xb7: {  	_ =	sfence  }
0xb8: {  	s30 =	sld [smem:$0x0];
	_ =	sdelay $0x2  }
0xb9: {  	s31 =	sshll.u32 s1, $0xD;
	s1 =	sshrl.u32 s1, $0x2  }
0xba: {  	s3 =	sand.u32 $0x4000, s31;
	s1 =	sadd.s32 s1, s30  }
0xbb: {  	s0 =	sor.u32 s3, s0;
	s1 =	sshll.u32 s1, $0x11  }
0xbc: {  	s0 =	sor.u32 s1, s0  }
0xbd: {  	s0 =	sadd.s32 $0x8F2B, s0  }
0xbe: {  	[sflag:s0] =	ssyncadd.remote.s32 $0x1  }
0xbf: {  	_ =	sfence.sel $0xFFFF  }
0xc0: {  	[dreg:$0x0] =	wrdreg $0xFFFFFFFF;
	(pc) =	sbr.abs _section_cstart, $3  }
0xc1: {  	[dreg:$0x1] =	wrdreg $0xFFFFFFFF  }
0xc2: {  	_ =	task.clear_ibuf [dreg:s6], $0x2FFFF;
	_ =	strace $0x9FFFFFFF  }
0xc3: {  	(tm) =	ssettm $0x7FFFFFFF  }
tec
execute0_lowered:
.L_overlay_start_1:
0x0: {  	(tag) =	ssettag $0x1  }
0x1: {  	s0 =	rddreg [dreg:$0x0]  }
0x2: {  	s2 =	rddreg [dreg:$0x1];
	s14 =	stileid.u32  }
0x3: {  	s1 =	srdreg.scid;
	s3 =	rddreg [dreg:$0x2]  }
0x4: {  	s4 =	simm.s32 $0x0;
	s13 =	simm.s32 $0x7200;
	s18 =	simm.s32 $0x80  }
0x5: {  	s19 =	simm.s32 $0x5200;
	s20 =	simm.s32 $0x6200;
	s21 =	simm.s32 $0x5A00  }
0x6: {  	s22 =	simm.s32 $0x6A00;
	s23 =	simm.s32 $0x1;
	s24 =	simm.s32 $0x2  }
0x7: {  	s25 =	simm.s32 $0x7A00;
	s8 =	smul.u32 $0x2800, s14;
	s1 =	sand.u32 $0x1, s1  }
0x8: {  	[smem:$0x7FF] =	sst s4;
	s7 =	smul.u32 $0xA000, s14;
	s31 =	sshll.u32 s14, $0x6  }
0x9: {  	s5 =	smul.u32 $0x28000, s1;
	_ =	strace $0x8000004A;
	s28 =	sshll.u32 s1, $0x4  }
0xa: {  	s1 =	ssub.s32 $0x2, s1;
	s15 =	sor.u32 $0x1C03, s31;
	s6 =	sshrl.u32 s8, $0x3  }
0xb: {  	s29 =	sshrl.u32 s7, $0x2;
	s30 =	sshrl.u32 s1, $0x1;
	s5 =	sadd.s32 s8, s5  }
0xc: {  	s16 =	sadd.s32 s8, s3;
	s9 =	sadd.s32 s6, s0;
	s5 =	sshrl.u32 s5, $0x3  }
0xd: {  	s10 =	sadd.s32 s29, s2;
	s11 =	sadd.s32 s5, s0;
	s5 =	sor.u32 s14, s28  }
0xe: {  	s1 =	ssub.s32 s1, s30;
	s16 =	sshrl.u32 s16, $0x3;
	s12 =	smul.u32 $0x520, s5  }
0xf: {  	s6 =	sadd.s32 $0x1000, s10;
	s7 =	sadd.s32 $0x2000, s10;
	s9 =	sadd.s32 $0x14800, s9  }
0x10: {  	v0 =	vimm.f32 $0.0e+00;
	v1 =	vimm.s32 $0x2;
	vm0 =	vcmask $0xB08;
	s14 =	simm.s32 $0x3;
	s5 =	sadd.s32 s8, s2;
	s8 =	sadd.s32 s0, s12  }
0x11: {  	v2 =	vimm.s32 $0x8;
	v3 =	vsel vm0, $0x3F800000, v0;
	vm0 =	vmmov $0x3;
	s11 =	sadd.s32 $0x19800, s11;
	s12 =	smax.u32 s1, $0x1;
	s10 =	sadd.s32 $0xA400, s8  }
.LBB2_1:
0x12: {  	s0 =	simm.s32 $0x40;
	s1 =	simm.s32 $0x0  }
.LBB2_2:
0x13: {  	p0 =	sne.s32 s0, $0x3FC0;
	[tilespmem:s1+$0x7200] =	vst v0;
	s1 =	smov.u32 s0;
	s0 =	sadd.s32 $0x40, s0  }
.Ltmp0:
0x14: {  	(pc) =	sbr.rel @p0 .LBB2_2-.Ltmp0, $2  }
0x15: {  	_ =	sdelay $0x2  }
0x16: {  	s1 =	sshra.s32 s1, $0x2  }
0x17: {  	[tilespmem:s1+$0x7200] =	vst v0  }
0x18: {  	[spmem:s5] =	stream.linear.scatter [tilespmem:s13], [sflag:$0x3], $0x1000, $0x38;
	[tilespmem:$0xD200] =	vst v63  }
0x19: {  	_ =	swait.ge [sflag:s14], $0x1000  }
0x1a: {  	[sflag:s14] =	ssyncset.done $0x0  }
0x1b: {  	[sflag:s14] =	ssyncadd.s32 $0xFFFFF000  }
0x1c: {  	[spmem:s6] =	stream.linear.scatter [tilespmem:s13], [sflag:$0x3], $0x1000, $0x38;
	[tilespmem:$0xD200] =	vst v63  }
0x1d: {  	_ =	swait.ge [sflag:s14], $0x1000  }
0x1e: {  	[sflag:s14] =	ssyncset.done $0x0  }
0x1f: {  	[sflag:s14] =	ssyncadd.s32 $0xFFFFF000  }
0x20: {  	[spmem:s7] =	stream.linear.scatter [tilespmem:s13], [sflag:$0x3], $0x800, $0x38;
	[tilespmem:$0xD200] =	vst v63  }
0x21: {  	_ =	swait.ge [sflag:s14], $0x800  }
0x22: {  	[sflag:s14] =	ssyncset.done $0x0  }
0x23: {  	[sflag:s14] =	ssyncadd.s32 $0xFFFFF800  }
0x24: {  	[spmem:s16], [sflag:s15] =	dma.local [hbm:s9], $0x500  }
0x25: {  	_ =	swait.ge [sflag:s14], $0x500  }
0x26: {  	[sflag:s14] =	ssyncset.done $0x0  }
0x27: {  	[sflag:s14] =	ssyncadd.s32 $0xFFFFFB00  }
0x28: {  	s26 =	simm.s32 $0x0;
	[bflag:$0x0] =	sbarrier.arrive $0xFFFF  }
0x29: {  	[tilespmem:s26], [sflag:$0x3] =	stream.linear.gather [hbm4b:s10+s26], $0x2900, $0x38;
	[tilespmem:$0xD200] =	vst v63  }
0x2a: {  	_ =	swait.ge [sflag:s14], $0x2900  }
0x2b: {  	[sflag:s14] =	ssyncset.done $0x0  }
0x2c: {  	s0 =	simm.s32 $0x2900;
	[sflag:s14] =	ssyncadd.s32 $0xFFFFD700  }
0x2d: {  	[tilespmem:s0], [sflag:$0x3] =	stream.linear.gather [hbm4b:s8+s26], $0x2900, $0x38;
	[tilespmem:$0xD200] =	vst v63  }
0x2e: {  	_ =	swait.ge [sflag:s14], $0x2900  }
0x2f: {  	[sflag:s14] =	ssyncset.done $0x0  }
0x30: {  	[sflag:s14] =	ssyncadd.s32 $0xFFFFD700  }
.LBB2_4:
0x31: {  	s0 =	sshll.u32 s26, $0x8  }
0x32: {  	[tilespmem:s19], [sflag:$0x1] =	stream.indirect.gather [spmem:s3], $0x10, s0, s18, $0xb8;
	[tilespmem:$0xD200] =	vst v63  }
0x33: {  	s28 =	sadd.s32 $0x2900, s0  }
0x34: {  	[tilespmem:s20], [sflag:$0x2] =	stream.indirect.gather [spmem:s3], $0x10, s28, s18, $0xb8;
	[tilespmem:$0xD200] =	vst v63  }
0x35: {  	s1 =	sor.u32 $0x80, s0  }
0x36: {  	[tilespmem:s21], [sflag:$0x1] =	stream.indirect.gather [spmem:s3], $0x10, s1, s18, $0xb8;
	[tilespmem:$0xD200] =	vst v63  }
0x37: {  	s29 =	sadd.s32 $0x2980, s0  }
0x38: {  	[tilespmem:s22], [sflag:$0x2] =	stream.indirect.gather [spmem:s3], $0x10, s29, s18, $0xb8;
	[tilespmem:$0xD200] =	vst v63  }
0x39: {  	_ =	swait.ge [sflag:s23], $0x800  }
0x3a: {  	[sflag:s23] =	ssyncset.done $0x0  }
0x3b: {  	[sflag:s23] =	ssyncadd.s32 $0xFFFFF800  }
0x3c: {  	_ =	swait.ge [sflag:s24], $0x800  }
0x3d: {  	[sflag:s24] =	ssyncset.done $0x0  }
0x3e: {  	[sflag:s24] =	ssyncadd.s32 $0xFFFFF800  }
0x3f: {  	_ =	swait.ge [sflag:s23], $0x800  }
0x40: {  	[sflag:s23] =	ssyncset.done $0x0  }
0x41: {  	[sflag:s23] =	ssyncadd.s32 $0xFFFFF800  }
0x42: {  	_ =	swait.ge [sflag:s24], $0x800  }
0x43: {  	[sflag:s24] =	ssyncset.done $0x0  }
0x44: {  	s0 =	simm.s32 $0x6220;
	[sflag:s24] =	ssyncadd.s32 $0xFFFFF800  }
0x45: {  	s17 =	simm.s32 $0x5220;
	v6 =	vld [tilespmem:s0+$0xFFFFFFE0]  }
0x46: {  	v4 =	vld [tilespmem:s17+$0x0]  }
0x47: {  	v8 =	vld [tilespmem:s0+$0x0]  }
0x48: {  	v5 =	vld [tilespmem:s17+$0xFFFFFFE0];
	_ =	sdelay $0x1  }
0x49: {  	v7 =	vld [tilespmem:s17+$0x10]  }
0x4a: {  	v10 =	vld [tilespmem:s0+$0x10]  }
0x4b: {  	v9 =	vld [tilespmem:s17+$0xFFFFFFF0];
	v11 =	vperm.xlane v4, v1;
	v8 =	vperm.xlane v8, v2  }
0x4c: {  	v6 =	vperm.xlane v6, v2;
	v12 =	vperm.xlane v5, v1  }
0x4d: {  	v13 =	vld [tilespmem:s0+$0xFFFFFFF0];
	v11 =	vadd.f32 v8, v11  }
0x4e: {  	s0 =	simm.s32 $0x6260;
	v14 =	vperm.xlane v7, v1;
	v12 =	vadd.f32 v6, v12  }
0x4f: {  	s17 =	simm.s32 $0x5260;
	v8 =	vperm.xlane v10, v2;
	v10 =	vld [tilespmem:s0+$0xFFFFFFE0];
	v16 =	vmul.f32 $2.000000030e-01, v11  }
0x50: {  	v15 =	vperm.xlane v9, v1;
	v6 =	vld [tilespmem:s17+$0x0];
	v17 =	vmul.f32 $2.000000030e-01, v12;
	vm2 =	vge.f32 v11, $0.0e+00  }
0x51: {  	v14 =	vadd.f32 v8, v14;
	vm1 =	vge.f32 v12, $0.0e+00;
	v8 =	vld [tilespmem:s17+$0x10];
	v11 =	vsel vm2, v11, v16  }
0x52: {  	v13 =	vperm.xlane v13, v2;
	v12 =	vsel vm1, v12, v17;
	v17 =	vld [tilespmem:s0+$0x0];
	v18 =	vmul.f32 $1.442695020e+00, v11  }
0x53: {  	v16 =	vmul.f32 $2.000000030e-01, v14;
	v11 =	vld [tilespmem:s17+$0xFFFFFFE0];
	v12 =	vmul.f32 $1.442695020e+00, v12  }
0x54: {  	v20 =	vld [tilespmem:s0+$0x10];
	v15 =	vadd.f32 v13, v15;
	vm1 =	vge.f32 v14, $0.0e+00;
	(erf) = vpow2.f32 v18  }
0x55: {  	v19 =	vperm.xlane v10, v2;
	v10 =	vld [tilespmem:s17+$0xFFFFFFF0];
	v14 =	vsel vm1, v14, v16;
	(erf) = vpow2.f32 v12  }
0x56: {  	v16 =	vmul.f32 $2.000000030e-01, v15;
	v21 =	vmul.f32 $1.442695020e+00, v14  }
0x57: {  	vm1 =	vge.f32 v15, $0.0e+00;
	v14 =	vperm.xlane v6, v1;
	v17 =	vperm.xlane v17, v2  }
0x58: {  	v13 =	vperm.xlane v8, v1;
	v15 =	vsel vm1, v15, v16;
	v16 =	vld [tilespmem:s0+$0xFFFFFFF0];
	v22 =	vperm.xlane v11, v1  }
0x59: {  	s30 =	simm.s32 $0x7220;
	s31 =	simm.s32 $0x7220;
	v18 =	vmul.f32 $1.442695020e+00, v15;
	(erf) = vpow2.f32 v21;
	v14 =	vadd.f32 v17, v14  }
0x5a: {  	s1 =	simm.s32 $0x4;
	s17 =	simm.s32 $0x52A0;
	s0 =	simm.s32 $0x62A0;
	v12 =	vperm.xlane v10, v1;
	v17 =	vperm.xlane v20, v2;
	v15 =	vadd.f32 v19, v22  }
.LBB2_5:
0x5b: {  	v19 =	vld [tilespmem:s0+$0xFFFFFFE0];
	s1 =	sadd.s32 $0x4, s1;
	v24 =	vmul.f32 $2.000000030e-01, v14;
	v21 =	vsel vm0, v4, v3;
	s30 =	sadd.s32 $0x40, s30;
	(erf) = vpow2.f32 v18;
	v4 =	vmovc v6  }
0x5c: {  	v6 =	vld [tilespmem:s17+$0x0];
	p0 =	slt.u32 s1, $0xFC;
	v18 =	vmul.f32 $2.000000030e-01, v15;
	v13 =	vadd.f32 v17, v13;
	v17 =	vsel vm0, v5, v3;
	v5 =	vmovc v11  }
0x5d: {  	vm2 =	vge.f32 v14, $0.0e+00;
	vm1 =	vge.f32 v15, $0.0e+00;
	v22 =	vld [tilespmem:s0+$0x10];
	v16 =	vperm.xlane v16, v2;
	v11 =	vpop (erf)  }
0x5e: {  	v14 =	vsel vm2, v14, v24;
	v23 =	vld [tilespmem:s17+$0xFFFFFFF0];
	v15 =	vsel vm1, v15, v18;
	v18 =	vmul.f32 $2.000000030e-01, v13;
	v20 =	vpop (erf)  }
0x5f: {  	v14 =	vmul.f32 $1.442695020e+00, v14;
	vm1 =	vge.f32 v13, $0.0e+00;
	v24 =	vld [tilespmem:s17+$0x10];
	v17 =	vmul.f32 v20, v17  }
0x60: {  	v19 =	vperm.xlane v19, v2;
	v20 =	vld [tilespmem:s0+$0x0];
	v13 =	vsel vm1, v13, v18;
	v18 =	vmul.f32 v11, v21  }
0x61: {  	v25 =	vmul.f32 $1.442695020e+00, v15;
	v11 =	vld [tilespmem:s17+$0xFFFFFFE0];
	v21 =	vmul.f32 $1.442695020e+00, v13;
	[tilespmem:s31+$0xFFFFFFE0] =	vst v17  }
0x62: {  	v12 =	vadd.f32 v16, v12;
	v17 =	vperm.xlane v6, v1;
	(erf) = vpow2.f32 v14;
	[tilespmem:s31+$0x0] =	vst v18  }
0x63: {  	v16 =	vsel vm0, v9, v3;
	v14 =	vsel vm0, v7, v3;
	(erf) = vpow2.f32 v25;
	v15 =	vpop (erf)  }
.Ltmp1:
0x64: {  	vm1 =	vge.f32 v12, $0.0e+00;
	v18 =	vmul.f32 $2.000000030e-01, v12;
	v13 =	vperm.xlane v24, v1;
	v7 =	vpop (erf);
	(pc) =	sbr.rel @p0 .LBB2_5-.Ltmp1, $4  }
0x65: {  	v9 =	vmovc v10;
	v10 =	vmovc v23;
	v20 =	vperm.xlane v20, v2;
	v25 =	vmul.f32 v7, v16;
	v7 =	vmov v8  }
0x66: {  	v18 =	vsel vm1, v12, v18;
	v26 =	vmul.f32 v15, v14;
	v8 =	vmovc v24;
	v23 =	vperm.xlane v11, v1;
	v16 =	vld [tilespmem:s0+$0xFFFFFFF0]  }
0x67: {  	v12 =	vperm.xlane v10, v1;
	v18 =	vmul.f32 $1.442695020e+00, v18;
	v14 =	vadd.f32 v20, v17;
	[tilespmem:s31+$0xFFFFFFF0] =	vst v25  }
0x68: {  	s17 =	sadd.s32 $0x40, s17;
	s0 =	sadd.s32 $0x40, s0;
	v17 =	vperm.xlane v22, v2;
	v15 =	vadd.f32 v19, v23;
	(erf) = vpow2.f32 v21;
	[tilespmem:s31+$0x10] =	vst v26;
	s31 =	smov.u32 s30  }
0x69: {  	_ = 	snop  }
0x6a: {  	v19 =	vmul.f32 $2.000000030e-01, v14;
	(erf) = vpow2.f32 v18  }
0x6b: {  	vm2 =	vge.f32 v14, $0.0e+00;
	v51 =	vmul.f32 $2.000000030e-01, v15;
	v16 =	vperm.xlane v16, v2  }
0x6c: {  	v13 =	vadd.f32 v17, v13;
	vm1 =	vge.f32 v15, $0.0e+00;
	v14 =	vsel vm2, v14, v19  }
0x6d: {  	v15 =	vsel vm1, v15, v51;
	v14 =	vmul.f32 $1.442695020e+00, v14;
	v12 =	vadd.f32 v16, v12  }
0x6e: {  	v52 =	vmul.f32 $2.000000030e-01, v13;
	v15 =	vmul.f32 $1.442695020e+00, v15  }
0x6f: {  	vm1 =	vge.f32 v13, $0.0e+00;
	(erf) = vpow2.f32 v14;
	v53 =	vmul.f32 $2.000000030e-01, v12  }
0x70: {  	v13 =	vsel vm1, v13, v52;
	vm1 =	vge.f32 v12, $0.0e+00;
	(erf) = vpow2.f32 v15  }
0x71: {  	v13 =	vmul.f32 $1.442695020e+00, v13;
	v12 =	vsel vm1, v12, v53  }
0x72: {  	v12 =	vmul.f32 $1.442695020e+00, v12  }
0x73: {  	(erf) = vpow2.f32 v13  }
0x74: {  	v54 =	vpop (erf);
	(erf) = vpow2.f32 v12  }
0x75: {  	v5 =	vsel vm0, v5, v3;
	v55 =	vpop (erf)  }
0x76: {  	v4 =	vsel vm0, v4, v3;
	v5 =	vmul.f32 v55, v5;
	v56 =	vpop (erf)  }
0x77: {  	v4 =	vmul.f32 v54, v4;
	v57 =	vpop (erf)  }
0x78: {  	[tilespmem:s31+$0xFFFFFFE0] =	vst v5;
	v5 =	vsel vm0, v7, v3;
	v59 =	vpop (erf)  }
0x79: {  	[tilespmem:s31+$0x0] =	vst v4;
	v4 =	vmul.f32 v56, v5;
	v5 =	vsel vm0, v11, v3;
	v60 =	vpop (erf)  }
0x7a: {  	v6 =	vsel vm0, v6, v3;
	v5 =	vmul.f32 v60, v5  }
0x7b: {  	v9 =	vsel vm0, v9, v3;
	s0 =	sadd.s32 $0x40, s30;
	[tilespmem:s31+$0x10] =	vst v4;
	v4 =	vmul.f32 v59, v6  }
0x7c: {  	v58 =	vmul.f32 v57, v9;
	v61 =	vpop (erf);
	[tilespmem:s0+$0xFFFFFFE0] =	vst v5;
	v5 =	vsel vm0, v8, v3  }
0x7d: {  	v62 =	vsel vm0, v10, v3;
	[tilespmem:s0+$0x0] =	vst v4;
	v4 =	vmul.f32 v61, v5;
	v63 =	vpop (erf)  }
0x7e: {  	[tilespmem:s31+$0xFFFFFFF0] =	vst v58;
	v6 =	vmul.f32 v63, v62  }
0x7f: {  	[tilespmem:s0+$0x10] =	vst v4  }
0x80: {  	[tilespmem:s0+$0xFFFFFFF0] =	vst v6  }
0x81: {  	[spmem:s2] =	stream.indirect.scatter.add.f32 [tilespmem:s13], [sflag:$0x3], $0x10, s28, s18, $0xb8;
	[tilespmem:$0xD200] =	vst v63  }
0x82: {  	s26 =	sadd.s32 $0x1, s26;
	_ =	swait.ge [sflag:s14], $0x800  }
0x83: {  	p0 =	sne.s32 s26, $0x29;
	[sflag:s14] =	ssyncset.done $0x0  }
.Ltmp2:
0x84: {  	[sflag:s14] =	ssyncadd.s32 $0xFFFFF800;
	(pc) =	sbr.rel @p0 .LBB2_4-.Ltmp2, $4  }
0x85: {  	[spmem:s2] =	stream.indirect.scatter.add.f32 [tilespmem:s25], [sflag:$0x3], $0x10, s29, s18, $0xb8;
	[tilespmem:$0xD200] =	vst v63  }
0x86: {  	_ =	swait.ge [sflag:s14], $0x800  }
0x87: {  	[sflag:s14] =	ssyncset.done $0x0  }
0x88: {  	[sflag:s14] =	ssyncadd.s32 $0xFFFFF800  }
0x89: {  	s4 =	sadd.s32 $0x1, s4  }
0x8a: {  	p0 =	sne.s32 s4, s12  }
.Ltmp3:
0x8b: {  	[bflag:$0x0] =	sbarrier.arrive $0xFFFF;
	s0 =	sshrl.u32 s5, $0x3;
	(pc) =	sbr.rel @p0 .LBB2_1-.Ltmp3, $4  }
0x8c: {  	[hbm:s11], [sflag:s15] =	dma.local [spmem:s0], $0x500  }
0x8d: {  	_ =	swait.ge [sflag:s14], $0x500  }
0x8e: {  	[sflag:s14] =	ssyncset.done $0x0  }
0x8f: {  	[sflag:s14] =	ssyncadd.s32 $0xFFFFFB00  }
0x90: {  	_ =	sfence.sel $0x180000  }
0x91: {  	[bflag:$0x0] =	sbarrier.arrive $0xFFFF  }
0x92: {  	_ =	strace $0x9000004A  }
0x93: {  	s0 =	stileid.u32;
	[bflag:$0x2] =	sbarrier.arrive $0xFFFF  }
0x94: {  	p0 =	sne.s32 s0, $0x0;
	s0 =	rddreg [dreg:$0x3]  }
0x95: {  	s0 =	sadd.s32 @!p0 $0x100000, s0  }
0x96: {  	[sflag:s0] =	ssyncadd.tile.s32 @!p0 $0x1;
	_ =	shalt  }
.Lfunc_end2:
_tile_overlayer_lowered:
.L_overlay_start_2:
0x97: {  	(tag) =	ssettag $0x2  }
0x98: {  	s0 =	rddreg [dreg:$0x0];
	s2 =	stileid.u32  }
0x99: {  	s1 =	rddreg [dreg:$0x1];
	p0 =	sne.s32 s2, $0x0  }
0x9a: {  	s3 =	rddreg [dreg:$0x2];
	[bflag:$0x3] =	sbarrier.arrive $0xFFFF;
	s2 =	simm.s32 @!p0 $0x1C03  }
0x9b: {  	[timem:s3], [sflag:s2] =	dma.local @!p0 [hbm:s0], s1  }
0x9c: {  	s0 =	simm.s32 @!p0 $0x3  }
0x9d: {  	_ =	swait.ge @!p0 [sflag:s0], s1  }
0x9e: {  	s1 =	ssub.s32 @!p0 $0x0, s1;
	[sflag:s0] =	ssyncset.done @!p0 $0x0  }
0x9f: {  	[sflag:s0] =	ssyncadd.s32 @!p0 s1  }
0xa0: {  	[bflag:$0x3] =	sbarrier.arrive $0xFFFF  }
0xa1: {  	_ =	shalt  }

// kernel: kernel.7.cloned.1.call-start
scs
__scs_entry_jumppad:
0x0: {  	(pc) =	sbr.rel $0x88, $3  }
0x1: {  	(tag) =	ssettag $0x0;
	lr =	simm.s32 $0x1  }
0x2: {  	[smem:$0x3F97] =	sst lr;
	_ =	strace $0xD0000000  }
0x3: {  	_ = 	snop  }
0x4: {  	_ = 	snop  }
0x5: {  	_ = 	snop  }
0x6: {  	_ = 	snop  }
0x7: {  	_ = 	snop  }
__scs_overlays_trampoline_lowered:
0x8: {  	[smem:$0x3FA6] =	sst s0  }
0x9: {  	[smem:$0x3FA7] =	sst s1  }
0xa: {  	[smem:$0x3FA8] =	sst s2  }
0xb: {  	[smem:$0x3FA9] =	sst s3  }
0xc: {  	[smem:$0x3FAA] =	sst s4  }
0xd: {  	[smem:$0x3FAB] =	sst s5  }
0xe: {  	[smem:$0x3FAC] =	sst s6  }
0xf: {  	[smem:$0x3FAD] =	sst s7  }
0x10: {  	[smem:$0x3FAE] =	sst s8  }
0x11: {  	[smem:$0x3FAF] =	sst s9;
	s0 =	simm.s32 @!p0 $0x0  }
0x12: {  	s1 =	sld [smem:$0x3F95];
	s0 =	simm.s32 @p0 $0x1  }
0x13: {  	[smem:$0x3FB0] =	sst s0;
	s0 =	simm.s32 @!p1 $0x0  }
0x14: {  	s2 =	sld [smem:$0x3F94];
	s0 =	simm.s32 @p1 $0x1  }
0x15: {  	[smem:$0x3FB1] =	sst s0;
	s0 =	simm.s32 @!p2 $0x0  }
0x16: {  	s3 =	sld [smem:$0x3FDB];
	s0 =	simm.s32 @p2 $0x1  }
0x17: {  	s4 =	simm.s32 $0x1BF5;
	[smem:$0x3FB3] =	sst s0  }
0x18: {  	s0 =	sld [smem:$0x3F96];
	_ =	swait.ge [sflag:s4], $0x0  }
0x19: {  	s7 =	sld [smem:$0x3F97]  }
0x1a: {  	s8 =	sadd.s32 $0xFFFFE003, lr  }
0x1b: {  	s9 =	sadd.s32 $0xFFFFFEF7, lr;
	s5 =	simm.s32 $0xFFFFFFFF;
	p2 =	slt.u32 s8, $0xFFFFF086  }
0x1c: {  	p1 =	slt.u32 s9, $0xF7A;
	s5 =	simm.s32 @!p2 $0x0  }
0x1d: {  	s5 =	simm.s32 @p1 $0x1;
	p0 =	seq.s32 s7, s2  }
0x1e: {  	s7 =	smul.u32 @!p0 $0xF7A, s2;
	p2 =	seq.s32 @!p0 s5, $0x0  }
0x1f: {  	s9 =	smul.u32 $0xF7A, s1;
	s8 =	simm.s32 @!p0 $0x1BF5;
	p2 =	por !p2, p0  }
0x20: {  	[sflag:s8] =	ssyncset.s32 @!p0 $0xFFFFF086;
	s6 =	sadd.s32 @!p0 s3, s7;
	s7 =	simm.s32 @!p0 $0x108  }
0x21: {  	s3 =	sadd.s32 s3, s9;
	s6 =	sadd.s32 @!p0 $0x88, s6;
	s7 =	simm.s32 @p2 $0x1082  }
0x22: {  	[simem:s7], [sflag:s8] =	dma.local @!p0 [hbm:s6], $0xF7A  }
0x23: {  	s9 =	sor.u32 $0xD0000000, s2;
	s6 =	simm.s32 $0x108;
	_ =	swait.ge @!p0 [sflag:s8], $0x0  }
0x24: {  	s3 =	sadd.s32 $0x88, s3;
	s6 =	simm.s32 @!p1 $0x1082;
	[sflag:s4] =	ssyncset.s32 $0xFFFFF086  }
0x25: {  	[simem:s6], [sflag:s4] =	dma.local [hbm:s3], $0xF7A  }
0x26: {  	[smem:$0x3F97] =	sst s1;
	(tag) =	ssettag s2;
	_ =	strace s9  }
0x27: {  	s1 =	sld [smem:$0x3FA7]  }
0x28: {  	s2 =	sld [smem:$0x3FA8]  }
0x29: {  	s4 =	sld [smem:$0x3FAA]  }
0x2a: {  	p0 =	seq.s32 s5, $0x0;
	s5 =	sld [smem:$0x3FAB]  }
0x2b: {  	s6 =	sld [smem:$0x3FAC]  }
0x2c: {  	s7 =	sld [smem:$0x3FAD]  }
0x2d: {  	s3 =	simm.s32 $0x108;
	s8 =	sld [smem:$0x3FAE]  }
0x2e: {  	s3 =	simm.s32 @!p0 $0x1082;
	s9 =	sld [smem:$0x3FAF]  }
0x2f: {  	lr =	sadd.s32 s0, s3;
	s0 =	sld [smem:$0x3FA6]  }
0x30: {  	s3 =	sld [smem:$0x3FA9]  }
0x31: {  	[smem:$0x3FB2] =	sst s10  }
0x32: {  	s10 =	sld [smem:$0x3FB0];
	_ =	sdelay $0x3  }
0x33: {  	p0 =	seq.s32 s10, $0x1;
	s10 =	sld [smem:$0x3FB2];
	_ =	sdelay $0x3  }
0x34: {  	[smem:$0x3FB2] =	sst s10  }
0x35: {  	s10 =	sld [smem:$0x3FB1];
	_ =	sdelay $0x3  }
0x36: {  	p1 =	seq.s32 s10, $0x1;
	s10 =	sld [smem:$0x3FB2];
	_ =	sdelay $0x3  }
0x37: {  	[smem:$0x3FB2] =	sst s10  }
0x38: {  	s10 =	sld [smem:$0x3FB3]  }
0x39: {  	_ = 	snop;
	(pc) =	sbr.ind lr, $3  }
0x3a: {  	_ = 	snop  }
0x3b: {  	_ = 	snop  }
0x3c: {  	p2 =	seq.s32 s10, $0x1;
	s10 =	sld [smem:$0x3FB2]  }
0x3d: {  	_ =	shalt  }
0x3e: {  	_ =	shalt  }
0x3f: {  	_ =	shalt  }
0x40: {  	_ =	shalt  }
0x41: {  	_ =	shalt  }
0x42: {  	_ =	shalt  }
0x43: {  	_ =	shalt  }
0x44: {  	_ =	shalt  }
0x45: {  	_ =	shalt  }
0x46: {  	_ =	shalt  }
0x47: {  	_ =	shalt  }
0x48: {  	_ =	shalt  }
0x49: {  	_ =	shalt  }
0x4a: {  	_ =	shalt  }
0x4b: {  	_ =	shalt  }
0x4c: {  	_ =	shalt  }
0x4d: {  	_ =	shalt  }
0x4e: {  	_ =	shalt  }
0x4f: {  	_ =	shalt  }
0x50: {  	_ =	shalt  }
0x51: {  	_ =	shalt  }
0x52: {  	_ =	shalt  }
0x53: {  	_ =	shalt  }
0x54: {  	_ =	shalt  }
0x55: {  	_ =	shalt  }
0x56: {  	_ =	shalt  }
0x57: {  	_ =	shalt  }
0x58: {  	_ =	shalt  }
0x59: {  	_ =	shalt  }
0x5a: {  	_ =	shalt  }
0x5b: {  	_ =	shalt  }
0x5c: {  	_ =	shalt  }
0x5d: {  	_ =	shalt  }
0x5e: {  	_ =	shalt  }
0x5f: {  	_ =	shalt  }
0x60: {  	_ =	shalt  }
0x61: {  	_ =	shalt  }
0x62: {  	_ =	shalt  }
0x63: {  	_ =	shalt  }
0x64: {  	_ =	shalt  }
0x65: {  	_ =	shalt  }
0x66: {  	_ =	shalt  }
0x67: {  	_ =	shalt  }
0x68: {  	_ =	shalt  }
0x69: {  	_ =	shalt  }
0x6a: {  	_ =	shalt  }
0x6b: {  	_ =	shalt  }
0x6c: {  	_ =	shalt  }
0x6d: {  	_ =	shalt  }
0x6e: {  	_ =	shalt  }
0x6f: {  	_ =	shalt  }
0x70: {  	_ =	shalt  }
0x71: {  	_ =	shalt  }
0x72: {  	_ =	shalt  }
0x73: {  	_ =	shalt  }
0x74: {  	_ =	shalt  }
0x75: {  	_ =	shalt  }
0x76: {  	_ =	shalt  }
0x77: {  	_ =	shalt  }
0x78: {  	_ =	shalt  }
0x79: {  	_ =	shalt  }
0x7a: {  	_ =	shalt  }
0x7b: {  	_ =	shalt  }
0x7c: {  	_ =	shalt  }
0x7d: {  	_ =	shalt  }
0x7e: {  	_ =	shalt  }
0x7f: {  	_ =	shalt  }
0x80: {  	_ =	shalt  }
0x81: {  	_ =	shalt  }
0x82: {  	_ =	shalt  }
0x83: {  	_ =	shalt  }
0x84: {  	_ =	shalt  }
0x85: {  	_ =	shalt  }
0x86: {  	_ =	shalt  }
0x87: {  	_ =	shalt  }
.Lfunc_end0:
.L_simem_size_0:
called_computation_lowered:
.L_overlay_start_0:
0x88: {  	s2 =	sld [smem:$0x3FD9]  }
0x89: {  	s3 =	sld [smem:$0x3FFE];
	_ =	sdelay $0x1  }
0x8a: {  	s1 =	srdreg.scid  }
0x8b: {  	s0 =	sand.u32 $0x1, s1  }
0x8c: {  	s16 =	sshll.u32 s0, $0xA;
	s2 =	sadd.s32 s3, s2  }
0x8d: {  	s2 =	sadd.s32 s2, s16  }
0x8e: {  	[smem:$0x3FBE] =	sst s2  }
0x8f: {  	_ = 	snop  }
0x90: {  	(tm) =	ssettm $0x1  }
0x91: {  	s17 =	sld [smem:$0x3FFB];
	_ =	sdelay $0x3  }
0x92: {  	_ =	strace s17  }
0x93: {  	s2 =	sld [smem:$0x3FFC];
	_ =	sdelay $0x3  }
0x94: {  	_ =	strace s2  }
0x95: {  	s2 =	sld [smem:$0x3FFD];
	_ =	sdelay $0x3  }
0x96: {  	_ =	strace s2  }
0x97: {  	_ =	strace $0x8FFFFFFF  }
0x98: {  	s18 =	sld [smem:$0x3FDB];
	_ =	sdelay $0x1  }
0x99: {  	s19 =	simm.s32 $_scs_section_size  }
0x9a: {  	s4 =	simm.s32 $_size__tile_overlayer_lowered;
	s5 =	simm.s32 $_tile_overlayer_lowered  }
0x9b: {  	s22 =	simm.s32 $0x1BFF;
	s21 =	sshll.u32 s5, $0x1;
	s2 =	sadd.s32 s19, s18  }
0x9c: {  	s6 =	simm.s32 $0x0;
	s20 =	sshll.u32 s4, $0x1;
	s4 =	sadd.s32 s21, s2  }
0x9d: {  	[timem:s6], [sflag:s22] =	dma.local [hbm:s4], s20  }
0x9e: {  	_ =	swait.ge [sflag:s22], s20  }
0x9f: {  	s3 =	ssub.s32 $0x0, s20;
	[sflag:s22] =	ssyncset.done $0x0  }
0xa0: {  	[sflag:s22] =	ssyncadd.s32 s3;
	_ =	sdelay $0x1  }
0xa1: {  	s23 =	simm.s32 $0x1B8B  }
0xa2: {  	_ =	swait.ge [sflag:s23], $0x1  }
0xa3: {  	[sflag:s23] =	ssyncset.done $0x0  }
0xa4: {  	s25 =	simm.s32 $0x1B8E;
	s24 =	sld [smem:$0x3FFE];
	[sflag:s23] =	ssyncadd.s32 $0xFFFFFFFF  }
0xa5: {  	s26 =	simm.s32 $execute0_lowered;
	[smem:$0x3FD2] =	sst s25  }
0xa6: {  	s4 =	sshll.u32 s26, $0x1;
	_ =	strace $0x80000046;
	[dreg:$0x1] =	wrdreg $0xFFFFFFFF  }
0xa7: {  	s28 =	simm.s32 $_size_execute0_lowered;
	s2 =	sadd.s32 s2, s4;
	[dreg:$0x0] =	wrdreg $0x0  }
0xa8: {  	s4 =	sshll.u32 s28, $0x1;
	[dreg:$0x2] =	wrdreg s2  }
0xa9: {  	[dreg:$0x3] =	wrdreg s4  }
0xaa: {  	[dreg:$0x4] =	wrdreg $0xC0  }
0xab: {  	_ =	task [dreg:s6], $0x5FFFF  }
0xac: {  	[dreg:$0x1] =	wrdreg $0xFFFFFFFF  }
0xad: {  	[dreg:$0x0] =	wrdreg $0x60  }
0xae: {  	[dreg:$0x2] =	wrdreg s24  }
0xaf: {  	[dreg:$0x3] =	wrdreg $0x96000  }
0xb0: {  	[dreg:$0x4] =	wrdreg $0x14A000  }
0xb1: {  	[dreg:$0x5] =	wrdreg $0x19A000  }
0xb2: {  	[dreg:$0x6] =	wrdreg $0x9  }
0xb3: {  	_ =	task.clear_ibuf [dreg:s6], $0x7FFFF;
	_ =	strace $0x90000046  }
0xb4: {  	s29 =	simm.s32 $0x9;
	_ =	strace $0x80000048  }
0xb5: {  	_ =	swait.ge [sflag:s29], $0x1  }
0xb6: {  	[sflag:s29] =	ssyncadd.s32 $0xFFFFFFFF  }
0xb7: {  	_ =	strace $0x90000048  }
0xb8: {  	_ =	sfence  }
0xb9: {  	s30 =	sld [smem:$0x0];
	_ =	sdelay $0x2  }
0xba: {  	s31 =	sshll.u32 s1, $0xD;
	s1 =	sshrl.u32 s1, $0x2  }
0xbb: {  	s3 =	sand.u32 $0x4000, s31;
	s1 =	sadd.s32 s1, s30  }
0xbc: {  	s0 =	sor.u32 s3, s0;
	s1 =	sshll.u32 s1, $0x11  }
0xbd: {  	s0 =	sor.u32 s1, s0  }
0xbe: {  	s0 =	sadd.s32 $0x8F2B, s0  }
0xbf: {  	[sflag:s0] =	ssyncadd.remote.s32 $0x1  }
0xc0: {  	_ =	sfence.sel $0xFFFF  }
0xc1: {  	[dreg:$0x0] =	wrdreg $0xFFFFFFFF;
	(pc) =	sbr.abs _section_cstart, $3  }
0xc2: {  	[dreg:$0x1] =	wrdreg $0xFFFFFFFF  }
0xc3: {  	_ =	task.clear_ibuf [dreg:s6], $0x2FFFF;
	_ =	strace $0x9FFFFFFF  }
0xc4: {  	(tm) =	ssettm $0x7FFFFFFF  }
0xc5: {  	_ =	shalt  }
tec
execute0_lowered:
.L_overlay_start_1:
0x0: {  	(tag) =	ssettag $0x1  }
0x1: {  	s0 =	rddreg [dreg:$0x0]  }
0x2: {  	s1 =	rddreg [dreg:$0x1]  }
0x3: {  	s2 =	rddreg [dreg:$0x2];
	s15 =	stileid.u32  }
0x4: {  	s5 =	srdreg.scid;
	s3 =	smul.u32 $0xA000, s15  }
0x5: {  	s4 =	rddreg [dreg:$0x3];
	s17 =	simm.s32 $0x7200;
	s7 =	smul.u32 $0xB400, s15  }
0x6: {  	s18 =	simm.s32 $0x4;
	s28 =	simm.s32 $0x2;
	s10 =	smul.u32 $0x2800, s15  }
0x7: {  	s6 =	sand.u32 $0x1, s5;
	s5 =	simm.s32 $0x0;
	s12 =	smul.u32 $0x2D000, s15  }
0x8: {  	s29 =	simm.s32 $0x3;
	s8 =	smul.u32 $0xB4000, s6;
	[smem:$0x7FF] =	sst s5  }
0x9: {  	s13 =	ssub.s32 $0x2, s6;
	s6 =	sshll.u32 s6, $0x4;
	s9 =	sshrl.u32 s3, $0x4  }
0xa: {  	_ =	strace $0x80000047;
	s11 =	sshrl.u32 s10, $0x3;
	s14 =	sshrl.u32 s13, $0x1  }
0xb: {  	s12 =	sshrl.u32 s12, $0x2;
	s21 =	sor.u32 s15, s6;
	s6 =	sadd.s32 s7, s1  }
0xc: {  	s3 =	sshrl.u32 s3, $0x1;
	s26 =	sadd.s32 s10, s4;
	s9 =	sadd.s32 s9, s0  }
0xd: {  	s8 =	sadd.s32 s7, s8;
	s11 =	sadd.s32 s11, s0;
	s14 =	ssub.s32 s13, s14  }
0xe: {  	s12 =	sadd.s32 s12, s1;
	s25 =	smul.u32 $0x520, s21;
	s3 =	sadd.s32 s3, s2  }
0xf: {  	s20 =	sshrl.u32 s26, $0x3;
	s26 =	simm.s32 $0x1;
	s22 =	sadd.s32 $0x2400, s12  }
0x10: {  	s8 =	sshrl.u32 s8, $0x3;
	s23 =	sadd.s32 $0x4800, s12;
	[dreg:$0x5] =	wrdreg s22  }
0x11: {  	s24 =	sadd.s32 $0x6C00, s12;
	s12 =	sadd.s32 $0x9000, s12;
	[dreg:$0x6] =	wrdreg s23  }
0x12: {  	s9 =	sadd.s32 $0x14800, s9;
	s30 =	sadd.s32 $0x1E800, s11;
	[dreg:$0x7] =	wrdreg s24  }
0x13: {  	s16 =	smax.u32 s14, $0x1;
	s19 =	sshrl.u32 s3, $0x3;
	[dreg:$0x8] =	wrdreg s12  }
0x14: {  	s8 =	sadd.s32 s8, s0;
	[dreg:$0x9] =	wrdreg s9;
	s13 =	sadd.s32 s0, s25  }
0x15: {  	v0 =	vlaneseq.u32;
	[dreg:$0xa] =	wrdreg s30;
	s22 =	simm.s32 $0x80;
	s0 =	sadd.s32 $0xA400, s13  }
0x16: {  	v0 =	vand.u32 $0x7, v0;
	s23 =	simm.s32 $0x5200;
	s31 =	sadd.s32 $0x23800, s8;
	[dreg:$0xb] =	wrdreg s0  }
0x17: {  	v1 =	vimm.f32 $0.0e+00;
	v2 =	vor.u32 $0x8, v0;
	s24 =	simm.s32 $0x6200;
	s25 =	simm.s32 $0x6A00;
	[dreg:$0xc] =	wrdreg s31  }
.LBB2_1:
0x18: {  	s0 =	simm.s32 $0x0  }
0x19: {  	s3 =	simm.s32 $0x120;
	[tilespmem:s0+$0x7220] =	vst v1  }
.LBB2_2:
0x1a: {  	p0 =	sne.s32 s3, $0x8EE0;
	[tilespmem:s0+$0x7210] =	vst v1;
	s7 =	smov.u32 s3;
	s3 =	sadd.s32 $0x120, s3  }
.Ltmp0:
0x1b: {  	[tilespmem:s0+$0x7230] =	vst v1;
	(pc) =	sbr.rel @p0 .LBB2_2-.Ltmp0, $4  }
0x1c: {  	[tilespmem:s0+$0x7238] =	vst v1  }
0x1d: {  	[tilespmem:s0+$0x7200] =	vst v1  }
0x1e: {  	s0 =	sshra.s32 s7, $0x2  }
0x1f: {  	[tilespmem:s0+$0x7220] =	vst v1  }
0x20: {  	[tilespmem:s0+$0x7210] =	vst v1  }
0x21: {  	[tilespmem:s0+$0x7230] =	vst v1  }
0x22: {  	[tilespmem:s0+$0x7200] =	vst v1  }
0x23: {  	[tilespmem:s0+$0x7238] =	vst v1  }
0x24: {  	[spmem:s6] =	stream.linear.scatter [tilespmem:s17], [sflag:$0x4], $0x2400, $0x38;
	[tilespmem:$0x1C200] =	vst v63  }
0x25: {  	_ =	swait.ge [sflag:s18], $0x2400  }
0x26: {  	[sflag:s18] =	ssyncset.done $0x0  }
0x27: {  	s7 =	rddreg [dreg:$0x5];
	[sflag:s18] =	ssyncadd.s32 $0xFFFFDC00  }
0x28: {  	[spmem:s7] =	stream.linear.scatter [tilespmem:s17], [sflag:$0x4], $0x2400, $0x38;
	[tilespmem:$0x1C200] =	vst v63  }
0x29: {  	_ =	swait.ge [sflag:s18], $0x2400  }
0x2a: {  	[sflag:s18] =	ssyncset.done $0x0  }
0x2b: {  	s8 =	rddreg [dreg:$0x6];
	[sflag:s18] =	ssyncadd.s32 $0xFFFFDC00  }
0x2c: {  	[spmem:s8] =	stream.linear.scatter [tilespmem:s17], [sflag:$0x4], $0x2400, $0x38;
	[tilespmem:$0x1C200] =	vst v63  }
0x2d: {  	_ =	swait.ge [sflag:s18], $0x2400  }
0x2e: {  	[sflag:s18] =	ssyncset.done $0x0  }
0x2f: {  	s9 =	rddreg [dreg:$0x7];
	[sflag:s18] =	ssyncadd.s32 $0xFFFFDC00  }
0x30: {  	[spmem:s9] =	stream.linear.scatter [tilespmem:s17], [sflag:$0x4], $0x2400, $0x38;
	[tilespmem:$0x1C200] =	vst v63  }
0x31: {  	_ =	swait.ge [sflag:s18], $0x2400  }
0x32: {  	[sflag:s18] =	ssyncset.done $0x0  }
0x33: {  	s10 =	rddreg [dreg:$0x8];
	[sflag:s18] =	ssyncadd.s32 $0xFFFFDC00  }
0x34: {  	[spmem:s10] =	stream.linear.scatter [tilespmem:s17], [sflag:$0x4], $0x2400, $0x38;
	[tilespmem:$0x1C200] =	vst v63  }
0x35: {  	s11 =	stileid.u32;
	_ =	swait.ge [sflag:s18], $0x2400  }
0x36: {  	s0 =	sshll.u32 s11, $0x6;
	[sflag:s18] =	ssyncset.done $0x0  }
0x37: {  	s30 =	sor.u32 $0x1C04, s0;
	s12 =	rddreg [dreg:$0x9];
	[sflag:s18] =	ssyncadd.s32 $0xFFFFDC00  }
0x38: {  	[spmem:s19], [sflag:s30] =	dma.local [hbm:s12], $0xA00  }
0x39: {  	_ =	swait.ge [sflag:s18], $0xA00  }
0x3a: {  	[sflag:s18] =	ssyncset.done $0x0  }
0x3b: {  	s14 =	rddreg [dreg:$0xa];
	[sflag:s18] =	ssyncadd.s32 $0xFFFFF600  }
0x3c: {  	[spmem:s20], [sflag:s30] =	dma.local [hbm:s14], $0x500  }
0x3d: {  	_ =	swait.ge [sflag:s18], $0x500  }
0x3e: {  	[sflag:s18] =	ssyncset.done $0x0  }
0x3f: {  	[sflag:s18] =	ssyncadd.s32 $0xFFFFFB00  }
0x40: {  	[bflag:$0x0] =	sbarrier.arrive $0xFFFF  }
0x41: {  	s31 =	simm.s32 $0x0;
	s15 =	rddreg [dreg:$0xb]  }
0x42: {  	[tilespmem:s31], [sflag:$0x4] =	stream.linear.gather [hbm4b:s15+s31], $0x2900, $0x38;
	[tilespmem:$0x1C200] =	vst v63  }
0x43: {  	_ =	swait.ge [sflag:s18], $0x2900  }
0x44: {  	[sflag:s18] =	ssyncset.done $0x0  }
0x45: {  	s21 =	simm.s32 $0x2900;
	[sflag:s18] =	ssyncadd.s32 $0xFFFFD700  }
0x46: {  	[tilespmem:s21], [sflag:$0x4] =	stream.linear.gather [hbm4b:s13+s31], $0x2900, $0x38;
	[tilespmem:$0x1C200] =	vst v63  }
0x47: {  	_ =	swait.ge [sflag:s18], $0x2900  }
0x48: {  	[sflag:s18] =	ssyncset.done $0x0  }
0x49: {  	[sflag:s18] =	ssyncadd.s32 $0xFFFFD700  }
.LBB2_4:
0x4a: {  	s0 =	sshll.u32 s31, $0x7  }
0x4b: {  	[tilespmem:s23], [sflag:$0x1] =	stream.indirect.gather [spmem:s2], $0x20, s0, s22, $0xb8;
	[tilespmem:$0x1C200] =	vst v63  }
0x4c: {  	_ = 	snop  }
0x4d: {  	[tilespmem:s24], [sflag:$0x2] =	stream.indirect.gather [spmem:s4], $0x10, s0, s22, $0xb8;
	[tilespmem:$0x1C200] =	vst v63  }
0x4e: {  	s3 =	sadd.s32 $0x2900, s0  }
0x4f: {  	[tilespmem:s25], [sflag:$0x3] =	stream.indirect.gather [spmem:s4], $0x10, s3, s22, $0xb8;
	[tilespmem:$0x1C200] =	vst v63  }
0x50: {  	_ =	swait.ge [sflag:s26], $0x1000  }
0x51: {  	[sflag:s26] =	ssyncset.done $0x0  }
0x52: {  	[sflag:s26] =	ssyncadd.s32 $0xFFFFF000  }
0x53: {  	_ =	swait.ge [sflag:s28], $0x800  }
0x54: {  	[sflag:s28] =	ssyncset.done $0x0  }
0x55: {  	[sflag:s28] =	ssyncadd.s32 $0xFFFFF800  }
0x56: {  	_ =	swait.ge [sflag:s29], $0x800  }
0x57: {  	[sflag:s29] =	ssyncset.done $0x0  }
0x58: {  	s10 =	simm.s32 $0x6A20;
	[sflag:s29] =	ssyncadd.s32 $0xFFFFF800  }
0x59: {  	v3 =	vld [tilespmem:s10+$0xFFFFFFF0]  }
0x5a: {  	s8 =	simm.s32 $0x6220  }
0x5b: {  	v4 =	vld [tilespmem:s8+$0xFFFFFFF0]  }
0x5c: {  	v5 =	vld [tilespmem:s10+$0xFFFFFFE0]  }
0x5d: {  	v6 =	vld [tilespmem:s10+$0x10]  }
0x5e: {  	v7 =	vld [tilespmem:s8+$0xFFFFFFE0];
	v3 =	vperm.xlane v3, v2  }
0x5f: {  	v8 =	vld [tilespmem:s8+$0x10]  }
0x60: {  	v3 =	vadd.f32 v3, v4  }
0x61: {  	v4 =	vperm.xlane v5, v2  }
0x62: {  	v5 =	vperm.xlane v6, v2;
	v6 =	vmul.f32 $2.000000030e-01, v3  }
0x63: {  	v4 =	vadd.f32 v4, v7;
	vm0 =	vge.f32 v3, $0.0e+00  }
0x64: {  	s7 =	simm.s32 $0x6260;
	v5 =	vadd.f32 v5, v8;
	v3 =	vsel vm0, v3, v6  }
0x65: {  	s9 =	simm.s32 $0x6A60;
	v9 =	vld [tilespmem:s7+$0xFFFFFFE0];
	v6 =	vmul.f32 $2.000000030e-01, v4;
	v3 =	vmul.f32 $1.442695020e+00, v3  }
0x66: {  	v8 =	vld [tilespmem:s9+$0xFFFFFFF0];
	vm4 =	vge.f32 v4, $0.0e+00;
	v7 =	vmul.f32 $2.000000030e-01, v5  }
0x67: {  	vm5 =	vge.f32 v5, $0.0e+00;
	v4 =	vsel vm4, v4, v6;
	v6 =	vld [tilespmem:s7+$0xFFFFFFF0];
	(erf) = vpow2.f32 v3  }
0x68: {  	v5 =	vsel vm5, v5, v7;
	v3 =	vld [tilespmem:s9+$0xFFFFFFE0];
	v4 =	vmul.f32 $1.442695020e+00, v4  }
0x69: {  	v7 =	vld [tilespmem:s9+$0x10];
	v5 =	vmul.f32 $1.442695020e+00, v5  }
0x6a: {  	(erf) = vpow2.f32 v4;
	v4 =	vld [tilespmem:s7+$0x10]  }
0x6b: {  	(erf) = vpow2.f32 v5;
	v5 =	vperm.xlane v8, v2;
	v8 =	vld [tilespmem:s10+$0x0];
	_ =	sdelay $0x1  }
0x6c: {  	v3 =	vperm.xlane v3, v2  }
0x6d: {  	v6 =	vadd.f32 v5, v6;
	v5 =	vperm.xlane v7, v2  }
0x6e: {  	v3 =	vadd.f32 v3, v9  }
0x6f: {  	v7 =	vmul.f32 $2.000000030e-01, v6;
	v9 =	vld [tilespmem:s8+$0x0];
	v4 =	vadd.f32 v5, v4;
	v8 =	vperm.xlane v8, v2;
	v10 =	vpop (erf)  }
0x70: {  	s11 =	simm.s32 $0x6AA0;
	v11 =	vld [tilespmem:s9+$0x0];
	vm6 =	vge.f32 v6, $0.0e+00;
	v5 =	vperm.xlane v10, v0;
	v10 =	vmul.f32 $2.000000030e-01, v3  }
0x71: {  	v6 =	vsel vm6, v6, v7;
	v7 =	vld [tilespmem:s11+$0xFFFFFFF0];
	vm7 =	vge.f32 v3, $0.0e+00;
	v12 =	vmul.f32 $2.000000030e-01, v4  }
0x72: {  	s12 =	simm.s32 $0x62A0;
	vm8 =	vge.f32 v4, $0.0e+00;
	v6 =	vmul.f32 $1.442695020e+00, v6;
	v3 =	vsel vm7, v3, v10  }
0x73: {  	s0 =	simm.s32 $0x7290;
	v14 =	vld [tilespmem:s12+$0xFFFFFFF0];
	v13 =	vpop (erf);
	v4 =	vsel vm8, v4, v12;
	v3 =	vmul.f32 $1.442695020e+00, v3  }
0x74: {  	s10 =	simm.s32 $0x5240;
	[tilespmem:s0+$0xFFFFFFF0] =	vst v5;
	(erf) = vpow2.f32 v6;
	v4 =	vmul.f32 $1.442695020e+00, v4;
	v8 =	vadd.f32 v8, v9;
	v9 =	vld [tilespmem:s11+$0xFFFFFFE0];
	v10 =	vpop (erf)  }
0x75: {  	v12 =	vld [tilespmem:s10+$0xFFFFFFE0];
	v6 =	vperm.xlane v10, v0;
	(erf) = vpow2.f32 v3  }
0x76: {  	v15 =	vld [tilespmem:s12+$0x10];
	v3 =	vperm.xlane v7, v2;
	v7 =	vperm.xlane v11, v2  }
0x77: {  	v11 =	vld [tilespmem:s11+$0x10];
	v10 =	vperm.xlane v13, v0;
	v13 =	vmul.f32 $2.000000030e-01, v8  }
0x78: {  	vm9 =	vge.f32 v8, $0.0e+00;
	(erf) = vpow2.f32 v4;
	v4 =	vld [tilespmem:s12+$0xFFFFFFE0]  }
0x79: {  	v16 =	vld [tilespmem:s7+$0x0];
	v3 =	vadd.f32 v3, v14;
	v8 =	vsel vm9, v8, v13;
	[tilespmem:s0+$0x80] =	vst v6  }
0x7a: {  	v9 =	vperm.xlane v9, v2;
	v14 =	vunpack.i.l.bf16.f32 v12;
	v8 =	vmul.f32 $1.442695020e+00, v8;
	v18 =	vld [tilespmem:s10+$0x20]  }
0x7b: {  	v12 =	vunpack.i.u.bf16.f32 v12;
	v14 =	vmul.f32 v14, v5;
	v13 =	vmul.f32 $2.000000030e-01, v3  }
0x7c: {  	s15 =	simm.s32 $0x62E0;
	vm10 =	vge.f32 v3, $0.0e+00;
	v12 =	vmul.f32 v12, v5;
	v11 =	vperm.xlane v11, v2  }
0x7d: {  	v22 =	vld [tilespmem:s15+$0xFFFFFFE0];
	[tilespmem:s0+$0xFFFFFFA8] =	vst v10;
	(erf) = vpow2.f32 v8;
	v3 =	vsel vm10, v3, v13;
	v4 =	vadd.f32 v9, v4  }
0x7e: {  	v17 =	vld [tilespmem:s10+$0xFFFFFFC0];
	v8 =	vmul.f32 $1.442695020e+00, v3;
	v11 =	vadd.f32 v11, v15;
	v15 =	vadd.f32 v7, v16  }
0x7f: {  	s14 =	simm.s32 $0x6AE0;
	v9 =	vld [tilespmem:s11+$0x0];
	v13 =	vpop (erf);
	v7 =	vmul.f32 $2.000000030e-01, v4;
	vm11 =	vge.f32 v4, $0.0e+00;
	v21 =	vunpack.i.u.bf16.f32 v18  }
0x80: {  	v31 =	vld [tilespmem:s14+$0x0];
	[tilespmem:s0+$0xFFFFFFC8] =	vst v12;
	v18 =	vunpack.i.l.bf16.f32 v18;
	v3 =	vperm.xlane v13, v0;
	v12 =	vpop (erf);
	v19 =	vmul.f32 $2.000000030e-01, v11  }
0x81: {  	s21 =	simm.s32 $0x73B0;
	[tilespmem:s0+$0xFFFFFFB8] =	vst v14;
	v13 =	vld [tilespmem:s12+$0x0];
	(erf) = vpow2.f32 v8;
	vm12 =	vge.f32 v11, $0.0e+00;
	v14 =	vpop (erf);
	v7 =	vsel vm11, v4, v7  }
0x82: {  	s7 =	simm.s32 $0x52C0;
	[tilespmem:s21+$0xFFFFFFF0] =	vst v3;
	v4 =	vperm.xlane v14, v0;
	v11 =	vsel vm12, v11, v19;
	v14 =	vmul.f32 $1.442695020e+00, v7;
	v19 =	vld [tilespmem:s14+$0xFFFFFFE0]  }
0x83: {  	v8 =	vunpack.i.u.bf16.f32 v17;
	v7 =	vperm.xlane v12, v0;
	v20 =	vld [tilespmem:s7+$0xFFFFFFE0];
	v12 =	vmul.f32 $1.442695020e+00, v11  }
0x84: {  	v16 =	vld [tilespmem:s10+$0xFFFFFFF0];
	v17 =	vunpack.i.l.bf16.f32 v17;
	v23 =	vmul.f32 v21, v6;
	v9 =	vperm.xlane v9, v2  }
0x85: {  	v21 =	vld [tilespmem:s14+$0x10];
	v28 =	vmul.f32 $2.000000030e-01, v15;
	vm13 =	vge.f32 v15, $0.0e+00;
	(erf) = vpow2.f32 v14  }
0x86: {  	v18 =	vmul.f32 v18, v6;
	[tilespmem:s21+$0xFFFFFFA8] =	vst v7;
	v11 =	vadd.f32 v9, v13;
	v9 =	vld [tilespmem:s14+$0xFFFFFFF0];
	(erf) = vpow2.f32 v12  }
0x87: {  	v24 =	vmul.f32 v17, v10;
	v27 =	vmul.f32 v8, v10;
	v15 =	vsel vm13, v15, v28;
	v25 =	vld [tilespmem:s7+$0xFFFFFFC0];
	v12 =	vpop (erf)  }
0x88: {  	v17 =	vperm.xlane v19, v2;
	v19 =	vld [tilespmem:s15+$0xFFFFFFF0];
	v12 =	vperm.xlane v12, v0;
	v13 =	vunpack.i.u.bf16.f32 v20  }
0x89: {  	v29 =	vld [tilespmem:s15+$0x10];
	v15 =	vmul.f32 $1.442695020e+00, v15;
	[tilespmem:s21+$0x80] =	vst v4;
	v8 =	vunpack.i.l.bf16.f32 v20;
	v26 =	vmul.f32 v13, v3  }
0x8a: {  	v30 =	vperm.xlane v21, v2;
	v20 =	vmul.f32 v8, v3;
	v22 =	vadd.f32 v17, v22;
	v13 =	vld [tilespmem:s7+$0x20];
	[tilespmem:s0+$0x38] =	vst v12  }
0x8b: {  	v14 =	vunpack.i.u.bf16.f32 v16;
	(erf) = vpow2.f32 v15;
	v9 =	vperm.xlane v9, v2;
	[tilespmem:s21+$0xFFFFFFC8] =	vst v26  }
0x8c: {  	v16 =	vunpack.i.l.bf16.f32 v16;
	v15 =	vperm.xlane v31, v2;
	v21 =	vmul.f32 $2.000000030e-01, v22;
	v32 =	vld [tilespmem:s10+$0x0];
	[tilespmem:s21+$0xFFFFFFB8] =	vst v20  }
0x8d: {  	v17 =	vunpack.i.u.bf16.f32 v25;
	v8 =	vpop (erf);
	vm14 =	vge.f32 v22, $0.0e+00;
	v28 =	vadd.f32 v9, v19;
	v33 =	vld [tilespmem:s7+$0xFFFFFFF0]  }
0x8e: {  	[tilespmem:s0+$0x58] =	vst v23;
	v8 =	vperm.xlane v8, v0;
	v19 =	vunpack.i.l.bf16.f32 v25;
	v20 =	vpop (erf);
	v21 =	vsel vm14, v22, v21;
	v22 =	vld [tilespmem:s15+$0x0]  }
0x8f: {  	[tilespmem:s0+$0xFFFFFF70] =	vst v24;
	v25 =	vadd.f32 v30, v29;
	v23 =	vmul.f32 $2.000000030e-01, v28;
	v9 =	vpop (erf);
	v24 =	vunpack.i.u.bf16.f32 v13  }
0x90: {  	[tilespmem:s0+$0xFFFFFF80] =	vst v27;
	vm15 =	vge.f32 v28, $0.0e+00;
	v9 =	vperm.xlane v9, v0;
	v26 =	vmul.f32 v24, v4  }
0x91: {  	s11 =	simm.s32 $0x74D0;
	[tilespmem:s0+$0x48] =	vst v18;
	v24 =	vld [tilespmem:s10+$0xFFFFFFD0];
	v18 =	vsel vm15, v28, v23;
	v23 =	vunpack.i.l.bf16.f32 v32;
	v28 =	vmul.f32 $2.000000030e-01, v25  }
0x92: {  	s9 =	simm.s32 $0x5340;
	s8 =	simm.s32 $0x74D0;
	[tilespmem:s11+$0xFFFFFFF0] =	vst v8;
	v27 =	vunpack.i.u.bf16.f32 v32;
	v29 =	vmul.f32 $1.442695020e+00, v18;
	v30 =	vmul.f32 v23, v12  }
0x93: {  	s12 =	simm.s32 $0xC;
	s14 =	simm.s32 $0x6B20;
	s15 =	simm.s32 $0x6320;
	[tilespmem:s11+$0x80] =	vst v9;
	v18 =	vunpack.i.u.bf16.f32 v33;
	v23 =	vld [tilespmem:s10+$0x30];
	v15 =	vadd.f32 v15, v22;
	v22 =	vunpack.i.l.bf16.f32 v33  }
.LBB2_5:
0x94: {  	v31 =	vld [tilespmem:s15+$0xFFFFFFE0];
	s12 =	sadd.s32 $0x4, s12;
	vm0 =	vge.f32 v25, $0.0e+00;
	(erf) = vpow2.f32 v29;
	v27 =	vmul.f32 v27, v12  }
0x95: {  	v32 =	vmul.f32 v16, v5;
	v29 =	vmul.f32 v14, v5;
	p0 =	slt.u32 s12, $0x7C;
	v25 =	vsel vm0, v25, v28;
	v28 =	vld [tilespmem:s9+$0xFFFFFFE0];
	[tilespmem:s0+$0x0] =	vst v30  }
0x96: {  	v33 =	vmul.f32 $1.442695020e+00, v21;
	v20 =	vperm.xlane v20, v0;
	v5 =	vmovc v3;
	v3 =	vmovc v8;
	[tilespmem:s21+$0x58] =	vst v26;
	v30 =	vunpack.i.l.bf16.f32 v24  }
0x97: {  	v14 =	vmovc v18;
	v16 =	vmovc v22;
	v25 =	vmul.f32 $1.442695020e+00, v25;
	v24 =	vunpack.i.u.bf16.f32 v24;
	v8 =	vld [tilespmem:s14+$0xFFFFFFE0];
	v26 =	vmul.f32 v30, v10;
	[tilespmem:s0+$0xFFFFFFD8] =	vst v32  }
0x98: {  	s11 =	sadd.s32 $0x120, s11;
	v22 =	vmul.f32 v24, v10;
	v18 =	vld [tilespmem:s14+$0x10];
	(erf) = vpow2.f32 v33;
	v21 =	vpop (erf);
	[tilespmem:s0+$0x10] =	vst v27;
	v24 =	vunpack.i.u.bf16.f32 v23  }
0x99: {  	v19 =	vmul.f32 v19, v7;
	v10 =	vmovc v7;
	v27 =	vmul.f32 v17, v7;
	v7 =	vmov v20;
	[tilespmem:s8+$0xFFFFFFA8] =	vst v20;
	v17 =	vld [tilespmem:s10+$0x10];
	s10 =	smov.u32 s7;
	s7 =	smov.u32 s9;
	s9 =	sadd.s32 $0x80, s9  }
0x9a: {  	v32 =	vperm.xlane v21, v0;
	v21 =	vmul.f32 v24, v6;
	v20 =	vld [tilespmem:s14+$0xFFFFFFF0];
	v30 =	vunpack.i.l.bf16.f32 v28;
	[tilespmem:s0+$0xFFFFFF90] =	vst v26  }
0x9b: {  	(erf) = vpow2.f32 v25;
	v24 =	vld [tilespmem:s7+$0xFFFFFFC0];
	v25 =	vunpack.i.u.bf16.f32 v28;
	v26 =	vmul.f32 v30, v3;
	[tilespmem:s21+$0xFFFFFF70] =	vst v19  }
0x9c: {  	v8 =	vperm.xlane v8, v2;
	v19 =	vld [tilespmem:s15+$0xFFFFFFF0];
	v25 =	vmul.f32 v25, v3;
	[tilespmem:s0+$0xFFFFFFA0] =	vst v22;
	v22 =	vunpack.i.l.bf16.f32 v23  }
0x9d: {  	vm0 =	vge.f32 v11, $0.0e+00;
	v28 =	vmul.f32 $2.000000030e-01, v11;
	v23 =	vpop (erf);
	v22 =	vmul.f32 v22, v6;
	[tilespmem:s0+$0x78] =	vst v21  }
0x9e: {  	v6 =	vmovc v4;
	v21 =	vadd.f32 v8, v31;
	v30 =	vld [tilespmem:s15+$0x10];
	v8 =	vperm.xlane v23, v0;
	[tilespmem:s0+$0xFFFFFFE8] =	vst v29;
	v23 =	vunpack.i.u.bf16.f32 v17  }
0x9f: {  	v18 =	vperm.xlane v18, v2;
	v4 =	vmovc v9;
	v29 =	vunpack.i.l.bf16.f32 v17;
	[tilespmem:s8+$0xFFFFFFC8] =	vst v25;
	v25 =	vunpack.i.l.bf16.f32 v13;
	v13 =	vld [tilespmem:s7+$0x20]  }
0xa0: {  	v31 =	vperm.xlane v20, v2;
	v9 =	vmul.f32 $2.000000030e-01, v21;
	v33 =	vld [tilespmem:s14+$0x0];
	[tilespmem:s8+$0xFFFFFFB8] =	vst v26;
	v26 =	vsel vm0, v11, v28;
	v11 =	vmovc v15  }
0xa1: {  	vm0 =	vge.f32 v21, $0.0e+00;
	v17 =	vunpack.i.u.bf16.f32 v24;
	v15 =	vmul.f32 v29, v12;
	v20 =	vpop (erf);
	[tilespmem:s21+$0x38] =	vst v32  }
0xa2: {  	v28 =	vadd.f32 v31, v19;
	v21 =	vsel vm0, v21, v9;
	v29 =	vld [tilespmem:s10+$0x0];
	v9 =	vmul.f32 v23, v12;
	[tilespmem:s0+$0x68] =	vst v22  }
0xa3: {  	v19 =	vunpack.i.l.bf16.f32 v24;
	v24 =	vmul.f32 v25, v6;
	v23 =	vmul.f32 $1.442695020e+00, v26;
	v12 =	vmovc v32;
	v22 =	vld [tilespmem:s15+$0x0];
	[tilespmem:s0+$0x20] =	vst v15  }
0xa4: {  	vm0 =	vge.f32 v28, $0.0e+00;
	v15 =	vmul.f32 $2.000000030e-01, v28;
	v25 =	vpop (erf);
	v31 =	vld [tilespmem:s7+$0xFFFFFFF0];
	[tilespmem:s0+$0x30] =	vst v9;
	s0 =	smov.u32 s21;
	s21 =	smov.u32 s8;
	s8 =	smov.u32 s11  }
.Ltmp1:
0xa5: {  	v26 =	vunpack.i.u.bf16.f32 v13;
	v9 =	vperm.xlane v25, v0;
	(erf) = vpow2.f32 v23;
	[tilespmem:s0+$0x48] =	vst v24;
	(pc) =	sbr.rel @p0 .LBB2_5-.Ltmp1, $4  }
0xa6: {  	v23 =	vperm.xlane v33, v2;
	v25 =	vadd.f32 v18, v30;
	v26 =	vmul.f32 v26, v4;
	[tilespmem:s0+$0xFFFFFF80] =	vst v27  }
0xa7: {  	v15 =	vsel vm0, v28, v15;
	[tilespmem:s11+$0x80] =	vst v9;
	v24 =	vld [tilespmem:s10+$0xFFFFFFD0];
	v27 =	vunpack.i.u.bf16.f32 v29;
	v18 =	vunpack.i.l.bf16.f32 v29  }
0xa8: {  	v29 =	vmul.f32 $1.442695020e+00, v15;
	v15 =	vadd.f32 v23, v22;
	[tilespmem:s11+$0xFFFFFFF0] =	vst v8;
	v30 =	vmul.f32 v18, v12  }
0xa9: {  	s14 =	sadd.s32 $0x40, s14;
	s15 =	sadd.s32 $0x40, s15;
	v28 =	vmul.f32 $2.000000030e-01, v25;
	v18 =	vunpack.i.u.bf16.f32 v31;
	v22 =	vunpack.i.l.bf16.f32 v31;
	v23 =	vld [tilespmem:s10+$0x30]  }
0xaa: {  	v31 =	vmul.f32 v16, v5;
	[tilespmem:s0+$0x0] =	vst v30  }
0xab: {  	v27 =	vmul.f32 v27, v12;
	[tilespmem:s21+$0x58] =	vst v26  }
0xac: {  	v16 =	vperm.xlane v20, v0;
	[tilespmem:s0+$0xFFFFFFD8] =	vst v31  }
0xad: {  	v19 =	vmul.f32 v19, v7;
	[tilespmem:s0+$0x10] =	vst v27  }
0xae: {  	v45 =	vmul.f32 v17, v7;
	[tilespmem:s8+$0xFFFFFFA8] =	vst v16  }
0xaf: {  	v53 =	vmul.f32 v22, v3;
	[tilespmem:s21+$0xFFFFFF70] =	vst v19  }
0xb0: {  	v13 =	vunpack.i.l.bf16.f32 v13;
	v3 =	vmul.f32 v18, v3;
	[tilespmem:s21+$0xFFFFFF80] =	vst v45  }
0xb1: {  	vm0 =	vge.f32 v25, $0.0e+00;
	v13 =	vmul.f32 v13, v4;
	[tilespmem:s21+$0xFFFFFFD8] =	vst v53  }
0xb2: {  	(erf) = vpow2.f32 v29;
	v61 =	vld [tilespmem:s9+$0xFFFFFFE0];
	v62 =	vunpack.i.l.bf16.f32 v24;
	v31 =	vmul.f32 v14, v5;
	[tilespmem:s21+$0xFFFFFFE8] =	vst v3  }
0xb3: {  	v21 =	vmul.f32 $1.442695020e+00, v21;
	v63 =	vunpack.i.u.bf16.f32 v24;
	v20 =	vmul.f32 v62, v10;
	[tilespmem:s21+$0x48] =	vst v13  }
0xb4: {  	v43 =	vld [tilespmem:s9+$0x20];
	v25 =	vsel vm0, v25, v28;
	v28 =	vmul.f32 v63, v10;
	v29 =	vunpack.i.u.bf16.f32 v23;
	[tilespmem:s0+$0xFFFFFFE8] =	vst v31  }
0xb5: {  	(erf) = vpow2.f32 v21;
	v30 =	vld [tilespmem:s10+$0x10];
	v33 =	vpop (erf);
	[tilespmem:s0+$0xFFFFFF90] =	vst v20;
	v21 =	vmul.f32 v29, v6  }
0xb6: {  	v36 =	vunpack.i.l.bf16.f32 v23;
	[tilespmem:s0+$0xFFFFFFA0] =	vst v28;
	v10 =	vperm.xlane v33, v0  }
0xb7: {  	v39 =	vmul.f32 $2.000000030e-01, v11;
	v48 =	vld [tilespmem:s7+$0xFFFFFFD0];
	v32 =	vunpack.i.u.bf16.f32 v61;
	v37 =	vmul.f32 v36, v6;
	[tilespmem:s0+$0x78] =	vst v21  }
0xb8: {  	vm14 =	vge.f32 v11, $0.0e+00;
	v50 =	vld [tilespmem:s9+$0xFFFFFFC0];
	v34 =	vunpack.i.l.bf16.f32 v61;
	v14 =	vmul.f32 v32, v8;
	[tilespmem:s21+$0x38] =	vst v10  }
0xb9: {  	v25 =	vmul.f32 $1.442695020e+00, v25;
	v51 =	vunpack.i.u.bf16.f32 v43;
	v35 =	vmul.f32 v34, v8;
	[tilespmem:s0+$0x68] =	vst v37  }
0xba: {  	v11 =	vsel vm14, v11, v39;
	v19 =	vmul.f32 v51, v9;
	[tilespmem:s8+$0xFFFFFFC8] =	vst v14;
	v38 =	vunpack.i.l.bf16.f32 v30  }
0xbb: {  	v11 =	vmul.f32 $1.442695020e+00, v11;
	v52 =	vld [tilespmem:s7+$0x30];
	v20 =	vunpack.i.u.bf16.f32 v30;
	[tilespmem:s8+$0xFFFFFFB8] =	vst v35;
	v40 =	vmul.f32 v38, v12  }
0xbc: {  	(erf) = vpow2.f32 v25;
	[tilespmem:s8+$0x58] =	vst v19;
	v55 =	vunpack.i.l.bf16.f32 v48;
	v44 =	vmul.f32 v20, v12  }
0xbd: {  	v41 =	vld [tilespmem:s7+$0x0];
	v56 =	vunpack.i.l.bf16.f32 v50;
	v17 =	vmul.f32 v55, v7;
	[tilespmem:s0+$0x20] =	vst v40  }
0xbe: {  	(erf) = vpow2.f32 v11;
	v11 =	vunpack.i.u.bf16.f32 v48;
	v58 =	vmul.f32 v56, v16;
	[tilespmem:s0+$0x30] =	vst v44  }
0xbf: {  	v42 =	vpop (erf);
	v59 =	vmul.f32 v11, v7;
	[tilespmem:s21+$0xFFFFFF90] =	vst v17  }
0xc0: {  	v60 =	vunpack.i.u.bf16.f32 v52;
	v6 =	vperm.xlane v42, v0;
	[tilespmem:s8+$0xFFFFFF70] =	vst v58  }
0xc1: {  	s14 =	sadd.s32 $0x120, s11;
	v26 =	vunpack.i.l.bf16.f32 v52;
	v11 =	vmul.f32 v60, v4;
	[tilespmem:s21+$0xFFFFFFA0] =	vst v59  }
0xc2: {  	v28 =	vmul.f32 v26, v4;
	[tilespmem:s14+$0xFFFFFFF0] =	vst v6;
	v49 =	vunpack.i.l.bf16.f32 v41  }
0xc3: {  	v61 =	vmul.f32 $2.000000030e-01, v15;
	[tilespmem:s21+$0x78] =	vst v11;
	v14 =	vunpack.i.u.bf16.f32 v41;
	v12 =	vmul.f32 v49, v10  }
0xc4: {  	s15 =	sadd.s32 $0x80, s9;
	vm15 =	vge.f32 v15, $0.0e+00;
	v34 =	vunpack.i.l.bf16.f32 v43;
	v30 =	vld [tilespmem:s9+$0xFFFFFFF0];
	v46 =	vpop (erf);
	[tilespmem:s21+$0x68] =	vst v28;
	v54 =	vmul.f32 v14, v10  }
0xc5: {  	v22 =	vsel vm15, v15, v61;
	v4 =	vmul.f32 v34, v9;
	v47 =	vpop (erf);
	v57 =	vld [tilespmem:s15+$0xFFFFFFE0];
	[tilespmem:s21+$0x0] =	vst v12  }
0xc6: {  	v7 =	vmul.f32 $1.442695020e+00, v22;
	v5 =	vperm.xlane v47, v0;
	[tilespmem:s21+$0x10] =	vst v54  }
0xc7: {  	v27 =	vunpack.i.u.bf16.f32 v50;
	[tilespmem:s8+$0x48] =	vst v4;
	v14 =	vperm.xlane v46, v0;
	v63 =	vld [tilespmem:s7+$0x10]  }
0xc8: {  	v62 =	vpop (erf);
	(erf) = vpow2.f32 v7;
	v7 =	vmul.f32 v27, v16;
	[tilespmem:s14+$0x80] =	vst v5  }
0xc9: {  	v38 =	vunpack.i.l.bf16.f32 v30;
	v19 =	vperm.xlane v62, v0;
	[tilespmem:s14+$0xFFFFFFA8] =	vst v14;
	v29 =	vld [tilespmem:s15+$0x20]  }
0xca: {  	v17 =	vmul.f32 v38, v8;
	[tilespmem:s8+$0xFFFFFF80] =	vst v7;
	v36 =	vld [tilespmem:s15+$0xFFFFFFC0];
	v24 =	vunpack.i.u.bf16.f32 v57  }
0xcb: {  	[tilespmem:s8+$0x38] =	vst v19;
	v25 =	vunpack.i.l.bf16.f32 v57;
	v15 =	vmul.f32 v24, v6  }
0xcc: {  	[tilespmem:s8+$0xFFFFFFD8] =	vst v17;
	v11 =	vmul.f32 v25, v6;
	v31 =	vunpack.i.l.bf16.f32 v63  }
0xcd: {  	v3 =	vld [tilespmem:s9+$0x0];
	[tilespmem:s14+$0xFFFFFFC8] =	vst v15;
	v32 =	vunpack.i.u.bf16.f32 v63;
	v33 =	vmul.f32 v31, v10  }
0xce: {  	[tilespmem:s14+$0xFFFFFFB8] =	vst v11;
	v37 =	vunpack.i.u.bf16.f32 v29;
	v10 =	vmul.f32 v32, v10  }
0xcf: {  	v7 =	vld [tilespmem:s9+$0xFFFFFFD0];
	v43 =	vunpack.i.l.bf16.f32 v36;
	v39 =	vmul.f32 v37, v5;
	[tilespmem:s21+$0x20] =	vst v33  }
0xd0: {  	v12 =	vunpack.i.u.bf16.f32 v36;
	v44 =	vmul.f32 v43, v14;
	[tilespmem:s21+$0x30] =	vst v10  }
0xd1: {  	v41 =	vpop (erf);
	v12 =	vmul.f32 v12, v14;
	[tilespmem:s14+$0x58] =	vst v39  }
0xd2: {  	v40 =	vld [tilespmem:s9+$0x30];
	v35 =	vunpack.i.l.bf16.f32 v3;
	v4 =	vperm.xlane v41, v0;
	[tilespmem:s14+$0xFFFFFF70] =	vst v44  }
0xd3: {  	v3 =	vunpack.i.u.bf16.f32 v3;
	v11 =	vmul.f32 v35, v19;
	[tilespmem:s14+$0xFFFFFF80] =	vst v12  }
0xd4: {  	v42 =	vunpack.i.l.bf16.f32 v7;
	v3 =	vmul.f32 v3, v19;
	[tilespmem:s14+$0x38] =	vst v4  }
0xd5: {  	v49 =	vunpack.i.l.bf16.f32 v29;
	[tilespmem:s8+$0x0] =	vst v11;
	v11 =	vmul.f32 v42, v16;
	v46 =	vld [tilespmem:s15+$0x0]  }
0xd6: {  	[tilespmem:s8+$0x10] =	vst v3;
	v3 =	vunpack.i.u.bf16.f32 v7;
	v7 =	vmul.f32 v49, v5  }
0xd7: {  	v50 =	vld [tilespmem:s15+$0xFFFFFFF0];
	v10 =	vunpack.i.l.bf16.f32 v40;
	v3 =	vmul.f32 v3, v16;
	[tilespmem:s8+$0xFFFFFF90] =	vst v11  }
0xd8: {  	v47 =	vunpack.i.u.bf16.f32 v30;
	v51 =	vmul.f32 v10, v9;
	[tilespmem:s14+$0x48] =	vst v7  }
0xd9: {  	v45 =	vunpack.i.u.bf16.f32 v40;
	v48 =	vld [tilespmem:s9+$0x10];
	[tilespmem:s8+$0xFFFFFFA0] =	vst v3;
	v3 =	vmul.f32 v47, v8  }
0xda: {  	v16 =	vmul.f32 v45, v9;
	[tilespmem:s8+$0x68] =	vst v51;
	v52 =	vunpack.i.l.bf16.f32 v46  }
0xdb: {  	[tilespmem:s8+$0xFFFFFFE8] =	vst v3;
	v3 =	vld [tilespmem:s15+$0xFFFFFFD0];
	v53 =	vunpack.i.u.bf16.f32 v46;
	v10 =	vmul.f32 v52, v4  }
0xdc: {  	v57 =	vunpack.i.l.bf16.f32 v50;
	[tilespmem:s8+$0x78] =	vst v16;
	v55 =	vld [tilespmem:s15+$0x30];
	v7 =	vmul.f32 v53, v4  }
0xdd: {  	v58 =	vmul.f32 v57, v6;
	v8 =	vunpack.i.u.bf16.f32 v50;
	[tilespmem:s14+$0x0] =	vst v10  }
0xde: {  	v6 =	vmul.f32 v8, v6;
	v54 =	vunpack.i.l.bf16.f32 v48;
	[tilespmem:s14+$0x10] =	vst v7  }
0xdf: {  	[tilespmem:s14+$0xFFFFFFD8] =	vst v58;
	v56 =	vunpack.i.u.bf16.f32 v48;
	v11 =	vmul.f32 v54, v19;
	v60 =	vld [tilespmem:s15+$0x10]  }
0xe0: {  	[tilespmem:s14+$0xFFFFFFE8] =	vst v6;
	v12 =	vmul.f32 v56, v19;
	v59 =	vunpack.i.l.bf16.f32 v3;
	v3 =	vunpack.i.u.bf16.f32 v3  }
0xe1: {  	v61 =	vunpack.i.u.bf16.f32 v55;
	[tilespmem:s8+$0x20] =	vst v11;
	v3 =	vmul.f32 v3, v14  }
0xe2: {  	[tilespmem:s8+$0x30] =	vst v12;
	v7 =	vmul.f32 v61, v5  }
0xe3: {  	v10 =	vmul.f32 v59, v14;
	[tilespmem:s14+$0xFFFFFFA0] =	vst v3;
	v3 =	vunpack.i.l.bf16.f32 v55  }
0xe4: {  	[tilespmem:s14+$0x78] =	vst v7;
	v3 =	vmul.f32 v3, v5;
	v62 =	vunpack.i.l.bf16.f32 v60  }
0xe5: {  	[tilespmem:s14+$0xFFFFFF90] =	vst v10;
	v63 =	vunpack.i.u.bf16.f32 v60;
	v5 =	vmul.f32 v62, v4  }
0xe6: {  	s31 =	sadd.s32 $0x1, s31;
	v4 =	vmul.f32 v63, v4;
	[tilespmem:s14+$0x68] =	vst v3  }
0xe7: {  	p0 =	sne.s32 s31, $0x52;
	[tilespmem:s14+$0x20] =	vst v5  }
.Ltmp2:
0xe8: {  	[tilespmem:s14+$0x30] =	vst v4;
	(pc) =	sbr.rel @p0 .LBB2_4-.Ltmp2, $4  }
0xe9: {  	[spmem:s1] =	stream.indirect.scatter.add.f32 [tilespmem:s17], [sflag:$0x4], $0x48, s3, s22, $0xb8;
	[tilespmem:$0x1C200] =	vst v63  }
0xea: {  	_ =	swait.ge [sflag:s18], $0x2400  }
0xeb: {  	[sflag:s18] =	ssyncset.done $0x0  }
0xec: {  	[sflag:s18] =	ssyncadd.s32 $0xFFFFDC00  }
0xed: {  	s5 =	sadd.s32 $0x1, s5  }
0xee: {  	[bflag:$0x0] =	sbarrier.arrive $0xFFFF;
	p0 =	sne.s32 s5, s16  }
.Ltmp3:
0xef: {  	s0 =	sshrl.u32 s6, $0x3;
	s3 =	rddreg [dreg:$0xc];
	(pc) =	sbr.rel @p0 .LBB2_1-.Ltmp3, $4  }
0xf0: {  	[hbm:s3], [sflag:s30] =	dma.local [spmem:s0], $0x1680  }
0xf1: {  	_ =	swait.ge [sflag:s18], $0x1680  }
0xf2: {  	[sflag:s18] =	ssyncset.done $0x0  }
0xf3: {  	[sflag:s18] =	ssyncadd.s32 $0xFFFFE980  }
0xf4: {  	_ =	sfence.sel $0x180000  }
0xf5: {  	[bflag:$0x0] =	sbarrier.arrive $0xFFFF  }
0xf6: {  	_ =	strace $0x90000047  }
0xf7: {  	s0 =	stileid.u32;
	[bflag:$0x2] =	sbarrier.arrive $0xFFFF  }
0xf8: {  	p0 =	sne.s32 s0, $0x0;
	s0 =	rddreg [dreg:$0x4]  }
0xf9: {  	s0 =	sadd.s32 @!p0 $0x100000, s0  }
0xfa: {  	[sflag:s0] =	ssyncadd.tile.s32 @!p0 $0x1;
	_ =	shalt  }
.Lfunc_end2:
_tile_overlayer_lowered:
.L_overlay_start_2:
0xfb: {  	(tag) =	ssettag $0x2  }
0xfc: {  	s0 =	rddreg [dreg:$0x0];
	s2 =	stileid.u32  }
0xfd: {  	s1 =	rddreg [dreg:$0x1];
	p0 =	sne.s32 s2, $0x0  }
0xfe: {  	s3 =	rddreg [dreg:$0x2];
	[bflag:$0x3] =	sbarrier.arrive $0xFFFF;
	s2 =	simm.s32 @!p0 $0x1C04  }
0xff: {  	[timem:s3], [sflag:s2] =	dma.local @!p0 [hbm:s0], s1  }
0x100: {  	s0 =	simm.s32 @!p0 $0x4  }
0x101: {  	_ =	swait.ge @!p0 [sflag:s0], s1  }
0x102: {  	s1 =	ssub.s32 @!p0 $0x0, s1;
	[sflag:s0] =	ssyncset.done @!p0 $0x0  }
0x103: {  	[sflag:s0] =	ssyncadd.s32 @!p0 s1  }
0x104: {  	[bflag:$0x3] =	sbarrier.arrive $0xFFFF  }
0x105: {  	_ =	shalt  }

</sc_bundles>
